<compile_context>
chip_gen: v7x
topology: tpu7x:2x2x1
jax: 0.10.2.dev20260603
libtpu: 0.0.44.dev20260713+nightly
codegen_flags: <defaults>
</compile_context>

<pallas_src>
import functools
import math

import jax
import jax.numpy as jnp
from jax import lax
from jax.experimental import pallas as pl
from jax.experimental.pallas import tpu as pltpu
from jax.experimental.pallas import tpu_sc as plsc

N = 10000
D = 128
E = 320000
NUM_NEIGHBORS = 32.0
MIXING_ANGLE = math.pi / 8.0

NC = 2
NS = 16
NW = NC * NS
EPW = E // NW
K = 40
CHUNKS = EPW // K
PAIRS = CHUNKS // 2
RSPAN = 624
RLAST = N - 15 * RSPAN

def _tc_pre(x, w1):
    bm = 1000

    def body(x_ref, w1_ref, feat_ref, self_ref):
        t = jnp.dot(x_ref[...], w1_ref[...], preferred_element_type=jnp.float32)
        t = t * (1.0 / math.sqrt(D))
        feat_ref[...] = t[:, :D]
        self_ref[...] = t[:, D:]

    return pl.pallas_call(
        body,
        grid=(N // bm,),
        in_specs=[
            pl.BlockSpec((bm, D), lambda i: (i, 0)),
            pl.BlockSpec((D, 2 * D), lambda i: (0, 0)),
        ],
        out_specs=[
            pl.BlockSpec((bm, D), lambda i: (i, 0)),
            pl.BlockSpec((bm, D), lambda i: (i, 0)),
        ],
        out_shape=[
            jax.ShapeDtypeStruct((N, D), jnp.float32),
            jax.ShapeDtypeStruct((N, D), jnp.float32),
        ],
    )(x, w1)


def _sc_gather_scatter(feat, esrc, edst, eattr):
    mesh = plsc.VectorSubcoreMesh(core_axis_name="c", subcore_axis_name="s")

    @functools.partial(
        pl.kernel,
        mesh=mesh,
        out_type=jax.ShapeDtypeStruct((NC * N, D), jnp.float32),
        scratch_types=[
            pltpu.VMEM((K,), jnp.int32),
            pltpu.VMEM((K,), jnp.int32),
            pltpu.VMEM((K,), jnp.int32),
            pltpu.VMEM((K,), jnp.int32),
            pltpu.VMEM((K, 16), jnp.float32),
            pltpu.VMEM((K, 16), jnp.float32),
            pltpu.VMEM((K, D), jnp.float32),
            pltpu.VMEM((K, D), jnp.float32),
            pltpu.VMEM((K, D), jnp.float32),
            pltpu.VMEM((K, D), jnp.float32),
            pltpu.VMEM_SHARED((N, D), jnp.float32),
            pltpu.SemaphoreType.DMA,
            pltpu.SemaphoreType.DMA,
            pltpu.SemaphoreType.DMA,
            pltpu.SemaphoreType.DMA,
            pltpu.SemaphoreType.DMA,
            pltpu.SemaphoreType.DMA,
            pltpu.SemaphoreType.DMA,
            pltpu.SemaphoreType.DMA,
            pltpu.SemaphoreType.DMA,
            pltpu.SemaphoreType.DMA,
        ],
    )
    def k(feat_hbm, src_hbm, dst_hbm, attr_hbm, out_hbm,
          srcidx0, srcidx1, dstidx0, dstidx1, attr0, attr1,
          rowsb0, rowsb1, rowsf0, rowsf1, acc_sh,
          semi0, semi1, semd0, semd1, sema0, sema1,
          semg0, semg1, sems0, sems1):
        c = lax.axis_index("c")
        s = lax.axis_index("s")
        tid = c * NS + s
        ebase = tid * EPW

        roff = s * RSPAN

        def zero_rows(r, carry):
            for j in range(D // 16):
                rowsf0[r, pl.ds(j * 16, 16)] = jnp.zeros((16,), jnp.float32)
            return carry

        lax.fori_loop(0, K, zero_rows, 0)

        def fill_acc(i, carry):
            pltpu.async_copy(rowsf0, acc_sh.at[pl.ds(roff + i * K, K)], sems0)
            return carry

        nfull = jnp.where(s == NS - 1, RLAST // K, RSPAN // K)
        lax.fori_loop(0, nfull, fill_acc, 0)

        @pl.when(s < NS - 1)
        def _():
            pltpu.async_copy(rowsf0.at[pl.ds(0, RSPAN - (RSPAN // K) * K)],
                             acc_sh.at[pl.ds(roff + (RSPAN // K) * K,
                                             RSPAN - (RSPAN // K) * K)],
                             sems0)

        def drain_fill(i, carry):
            pltpu.make_async_copy(
                rowsf0, acc_sh.at[pl.ds(roff, K)], sems0).wait()
            return carry

        lax.fori_loop(0, nfull, drain_fill, 0)

        @pl.when(s < NS - 1)
        def _():
            pltpu.make_async_copy(
                rowsf0.at[pl.ds(0, RSPAN - (RSPAN // K) * K)],
                acc_sh.at[pl.ds(roff, RSPAN - (RSPAN // K) * K)],
                sems0).wait()

        plsc.subcore_barrier()

        def start_idx(g, idx, hbm, semi):
            pltpu.async_copy(hbm.at[pl.ds(ebase + g * K, K)], idx, semi)

        def wait_idx(idx, hbm, semi):
            pltpu.make_async_copy(hbm.at[pl.ds(ebase, K)], idx, semi).wait()

        def start_attr(g, attr_b, sema):
            pltpu.async_copy(attr_hbm.at[tid, g], attr_b, sema)

        def wait_attr(attr_b, sema):
            pltpu.make_async_copy(attr_hbm.at[tid, 0], attr_b, sema).wait()

        def start_gather(srcidx, rowsb, semg):
            pltpu.async_copy(feat_hbm.at[srcidx], rowsb, semg)

        def wait_gather(srcidx, rowsb, semg):
            pltpu.make_async_copy(feat_hbm.at[srcidx], rowsb, semg).wait()

        def scale(rowsb, rowsf, attr_b):

            def row_body(r, carry):
                bc = attr_b[r]
                for j in range(D // 16):
                    sl = pl.ds(j * 16, 16)
                    rowsf[r, sl] = rowsb[r, sl] * bc
                return carry

            lax.fori_loop(0, K, row_body, 0)

        def start_scatter(dstidx, rowsf, sems):
            pltpu.async_copy(rowsf, acc_sh.at[dstidx], sems, add=True)

        def wait_scatter(dstidx, rowsf, sems):
            pltpu.make_async_copy(rowsf, acc_sh.at[dstidx], sems).wait()

        start_idx(0, srcidx0, src_hbm, semi0)
        start_idx(1, srcidx1, src_hbm, semi1)
        start_attr(0, attr0, sema0)
        start_attr(1, attr1, sema1)
        wait_idx(srcidx0, src_hbm, semi0)
        start_gather(srcidx0, rowsb0, semg0)
        wait_idx(srcidx1, src_hbm, semi1)
        start_gather(srcidx1, rowsb1, semg1)

        def half_iter(m, e0, srcidx, dstidx, attr_b, rowsb, rowsf,
                      semi, semd, sema, semg, sems):
            not_last = m < PAIRS - 1

            wait_gather(srcidx, rowsb, semg)

            @pl.when(not_last)
            def _():
                start_idx(e0 + 2, srcidx, src_hbm, semi)

            @pl.when(m > 0)
            def _():
                wait_scatter(dstidx, rowsf, sems)

            start_idx(e0, dstidx, dst_hbm, semd)
            wait_attr(attr_b, sema)
            scale(rowsb, rowsf, attr_b)

            @pl.when(not_last)
            def _():
                start_attr(e0 + 2, attr_b, sema)
                wait_idx(srcidx, src_hbm, semi)
                start_gather(srcidx, rowsb, semg)

            wait_idx(dstidx, dst_hbm, semd)
            start_scatter(dstidx, rowsf, sems)

        def pair_body(m, carry):
            half_iter(m, 2 * m, srcidx0, dstidx0, attr0, rowsb0, rowsf0,
                      semi0, semd0, sema0, semg0, sems0)
            half_iter(m, 2 * m + 1, srcidx1, dstidx1, attr1, rowsb1, rowsf1,
                      semi1, semd1, sema1, semg1, sems1)
            return carry

        lax.fori_loop(0, PAIRS, pair_body, 0)
        wait_scatter(dstidx0, rowsf0, sems0)
        wait_scatter(dstidx1, rowsf1, sems1)
        plsc.subcore_barrier()

        obase = c * N + roff

        @pl.when(s < NS - 1)
        def _():
            pltpu.sync_copy(acc_sh.at[pl.ds(roff, RSPAN)],
                            out_hbm.at[pl.ds(obase, RSPAN)])

        @pl.when(s == NS - 1)
        def _():
            pltpu.sync_copy(acc_sh.at[pl.ds(roff, RLAST)],
                            out_hbm.at[pl.ds(obase, RLAST)])

    return k(feat, esrc, edst, eattr)


def _tc_post(parts, self_out, tp_w_row, w2):
    bm = 1000
    cos_a = math.cos(MIXING_ANGLE)
    sin_scaled = math.sin(MIXING_ANGLE) / math.sqrt(NUM_NEIGHBORS * D)

    def body(p0_ref, p1_ref, self_ref, tpw_ref, w2_ref, o_ref):
        sacc = p0_ref[...] + p1_ref[...]
        nf = sacc * tpw_ref[...]
        conv = jnp.dot(nf, w2_ref[...], preferred_element_type=jnp.float32)
        o_ref[...] = cos_a * self_ref[...] + sin_scaled * conv

    nb = N // bm
    return pl.pallas_call(
        body,
        grid=(nb,),
        in_specs=[
            pl.BlockSpec((bm, D), lambda i: (i, 0)),
            pl.BlockSpec((bm, D), lambda i: (i + nb, 0)),
            pl.BlockSpec((bm, D), lambda i: (i, 0)),
            pl.BlockSpec((1, D), lambda i: (0, 0)),
            pl.BlockSpec((D, D), lambda i: (0, 0)),
        ],
        out_specs=pl.BlockSpec((bm, D), lambda i: (i, 0)),
        out_shape=jax.ShapeDtypeStruct((N, D), jnp.float32),
    )(parts, parts, self_out, tp_w_row, w2)


def kernel(node_input, edge_src, edge_dst, edge_attr, W1, tp_w, W2):
    feat, self_out = _tc_pre(node_input, W1)
    eattr4 = jnp.broadcast_to(edge_attr, (E, 16)).reshape(NW, CHUNKS, K, 16)
    parts = _sc_gather_scatter(feat, edge_src, edge_dst, eattr4)
    return _tc_post(parts, self_out, tp_w.reshape(1, D), W2)

# --- scband reference (transcript-rebuilt; emitter-appended) ---
"""Pipeline reference for scband-convolution-12386685681676 (READ-ONLY COPY).

The authoritative reference and input builder live on the scoring server;
editing this copy changes nothing except your own understanding.
"""

import jax, jax.numpy as jnp
import numpy as np

N_NODES = 10000
N_EDGES = 320000
D = 128
NUM_NEIGHBORS = 32.0
MIXING_ANGLE = jnp.pi / 8.0


def setup_inputs(seed: int = 0) -> dict:
    key = jax.random.key(seed)
    k1, k2, k3, k4, k5, k6, k7 = jax.random.split(key, 7)
    node_input = jax.random.normal(k1, (N_NODES, D), dtype=jnp.float32)
    edge_src = jax.random.randint(k2, (N_EDGES,), 0, N_NODES, dtype=jnp.int64 if jax.config.jax_enable_x64 else jnp.int32).astype(jnp.int32)
    edge_dst = jax.random.randint(k3, (N_EDGES,), 0, N_NODES, dtype=jnp.int64 if jax.config.jax_enable_x64 else jnp.int32).astype(jnp.int32)
    edge_attr = jax.random.normal(k4, (N_EDGES, 1), dtype=jnp.float32)
    # Learned parameters. All irreps are scalar (0e), so e3nn Linear/TensorProduct
    # reduce to dense linear maps / elementwise weighted products.
    # HLinear: irreps_node_input (128x0e) -> irreps_node_input + irreps_node_output (256x0e)
    W1 = jax.random.normal(k5, (D, 2 * D), dtype=jnp.float32)
    # TensorProduct 'uvu' path weights: path_shape = (mul_u=128, mul_v=1) -> (128,)
    tp_w = jax.random.normal(k6, (D,), dtype=jnp.float32)
    # HLinear: irreps_mid (128x0e) -> irreps_node_output (128x0e)
    W2 = jax.random.normal(k7, (D, D), dtype=jnp.float32)
    return {"node_input": node_input, "edge_src": edge_src, "edge_dst": edge_dst,
            "edge_attr": edge_attr, "W1": W1, "tp_w": tp_w, "W2": W2}


def reference(node_input, edge_src, edge_dst, edge_attr, W1, tp_w, W2):
    d = node_input.shape[1]
    n = node_input.shape[0]
    # HLinear(in -> in + out), e3nn fan-in normalization 1/sqrt(fan_in)
    tmp = (node_input @ W1) / jnp.sqrt(jnp.float32(d))
    node_features = tmp[:, :d]
    node_self_out = tmp[:, d:]
    # gather source node features onto edges
    edge_features = node_features[edge_src]
    # scalar 'uvu' tensor product with learned per-path weights:
    # out[e,u] = w[u] * x[e,u] * y[e,0]
    edge_features = edge_features * edge_attr * tp_w[None, :]
    # index_add (scatter-add) to destination nodes
    node_feats = jnp.zeros((n, d), dtype=node_input.dtype).at[edge_dst].add(edge_features)
    node_feats = node_feats / jnp.sqrt(jnp.float32(NUM_NEIGHBORS))
    # HLinear(mid -> out)
    node_conv_out = (node_feats @ W2) / jnp.sqrt(jnp.float32(d))
    c = jnp.cos(MIXING_ANGLE)
    s = jnp.sin(MIXING_ANGLE)
    return c * node_self_out + s * node_conv_out

if __name__ == "__main__":
    import jax
    _d = setup_inputs()
    print(jax.jit(kernel)(*tuple(_d.values())))

</pallas_src>

<mosaic_0001>
#map = affine_map<(d0, d1) -> (0, 0)>
#map1 = affine_map<(d0, d1) -> (0)>
#map2 = affine_map<(d0, d1) -> (0, 0, 0, 0)>
module attributes {stable_mosaic.version = 14 : i64} {
  func.func @k(%arg0: i32, %arg1: i32, %arg2: memref<10000x128xf32, #tpu.memory_space<hbm>>, %arg3: memref<320000xi32, #tpu.memory_space<hbm>>, %arg4: memref<320000xi32, #tpu.memory_space<hbm>>, %arg5: memref<32x250x40x16xf32, #tpu.memory_space<hbm>>, %arg6: memref<20000x128xf32, #tpu.memory_space<hbm>>, %arg7: memref<40xi32, #tpu.memory_space<vmem>>, %arg8: memref<40xi32, #tpu.memory_space<vmem>>, %arg9: memref<40xi32, #tpu.memory_space<vmem>>, %arg10: memref<40xi32, #tpu.memory_space<vmem>>, %arg11: memref<40x16xf32, #tpu.memory_space<vmem>>, %arg12: memref<40x16xf32, #tpu.memory_space<vmem>>, %arg13: memref<40x128xf32, #tpu.memory_space<vmem>>, %arg14: memref<40x128xf32, #tpu.memory_space<vmem>>, %arg15: memref<40x128xf32, #tpu.memory_space<vmem>>, %arg16: memref<40x128xf32, #tpu.memory_space<vmem>>, %arg17: memref<10000x128xf32, #tpu.memory_space<vmem_shared>>, %arg18: memref<!tpu.dma_semaphore, #tpu.memory_space<semaphore_mem>>, %arg19: memref<!tpu.dma_semaphore, #tpu.memory_space<semaphore_mem>>, %arg20: memref<!tpu.dma_semaphore, #tpu.memory_space<semaphore_mem>>, %arg21: memref<!tpu.dma_semaphore, #tpu.memory_space<semaphore_mem>>, %arg22: memref<!tpu.dma_semaphore, #tpu.memory_space<semaphore_mem>>, %arg23: memref<!tpu.dma_semaphore, #tpu.memory_space<semaphore_mem>>, %arg24: memref<!tpu.dma_semaphore, #tpu.memory_space<semaphore_mem>>, %arg25: memref<!tpu.dma_semaphore, #tpu.memory_space<semaphore_mem>>, %arg26: memref<!tpu.dma_semaphore, #tpu.memory_space<semaphore_mem>>, %arg27: memref<!tpu.dma_semaphore, #tpu.memory_space<semaphore_mem>>) attributes {dimension_semantics = [#tpu.dimension_semantics<core_parallel>, #tpu.dimension_semantics<subcore_parallel>], iteration_bounds = array<i64: 2, 16>, scalar_prefetch = 0 : i64, scratch_operands = 21 : i64, tpu.core_type = #tpu.core_type<sc_vector_subcore>, window_params = [{transform_indices = #map}, {transform_indices = #map1}, {transform_indices = #map1}, {transform_indices = #map2}, {transform_indices = #map}]} {
    %mul3A = arith.constant 16 : i32
    %mul3A_0 = arith.muli %arg0, %mul3A : i32
    %add3A = arith.addi %mul3A_0, %arg1 : i32
    %mul3A_1 = arith.constant 10000 : i32
    %mul3A_2 = arith.muli %add3A, %mul3A_1 : i32
    %mul3A_3 = arith.constant 624 : i32
    %mul3A_4 = arith.muli %arg1, %mul3A_3 : i32
    %scan3A = arith.constant 0 : i32
    %scan3A_5 = arith.constant 0 : i32
    %scan3A_6 = arith.constant 40 : i32
    %scan3A_7 = arith.addi %scan3A_5, %scan3A_6 : i32
    %scan3A_8 = arith.constant 1 : i32
    scf.for %scan3A_98 = %scan3A_5 to %scan3A_7 step %scan3A_8  : i32 {
      %broadcast_in_dim3A = arith.constant 0.000000e+00 : f32
      %broadcast_in_dim3A_99 = vector.broadcast %broadcast_in_dim3A : f32 to vector<16xf32>
      %swap3A = arith.index_cast %scan3A_98 : i32 to index
      %swap3A_100 = arith.constant 0 : index
      %swap3A_101 = tpu.vector_load %arg15[%swap3A, %swap3A_100] {strides = array<i32>} : memref<40x128xf32, #tpu.memory_space<vmem>>, vector<1x16xf32>,
      %swap3A_102 = vector.shape_cast %swap3A_101 : vector<1x16xf32> to vector<16xf32>
      %swap3A_103 = vector.shape_cast %broadcast_in_dim3A_99 : vector<16xf32> to vector<1x16xf32>
      tpu.vector_store %arg15[%swap3A, %swap3A_100], %swap3A_103 {strides = array<i32>} : memref<40x128xf32, #tpu.memory_space<vmem>>, vector<1x16xf32>,
      %broadcast_in_dim3A_104 = arith.constant 0.000000e+00 : f32
      %broadcast_in_dim3A_105 = vector.broadcast %broadcast_in_dim3A_104 : f32 to vector<16xf32>
      %swap3A_106 = arith.index_cast %scan3A_98 : i32 to index
      %swap3A_107 = arith.constant 16 : index
      %swap3A_108 = tpu.vector_load %arg15[%swap3A_106, %swap3A_107] {strides = array<i32>} : memref<40x128xf32, #tpu.memory_space<vmem>>, vector<1x16xf32>,
      %swap3A_109 = vector.shape_cast %swap3A_108 : vector<1x16xf32> to vector<16xf32>
      %swap3A_110 = vector.shape_cast %broadcast_in_dim3A_105 : vector<16xf32> to vector<1x16xf32>
      tpu.vector_store %arg15[%swap3A_106, %swap3A_107], %swap3A_110 {strides = array<i32>} : memref<40x128xf32, #tpu.memory_space<vmem>>, vector<1x16xf32>,
      %broadcast_in_dim3A_111 = arith.constant 0.000000e+00 : f32
      %broadcast_in_dim3A_112 = vector.broadcast %broadcast_in_dim3A_111 : f32 to vector<16xf32>
      %swap3A_113 = arith.index_cast %scan3A_98 : i32 to index
      %swap3A_114 = arith.constant 32 : index
      %swap3A_115 = tpu.vector_load %arg15[%swap3A_113, %swap3A_114] {strides = array<i32>} : memref<40x128xf32, #tpu.memory_space<vmem>>, vector<1x16xf32>,
      %swap3A_116 = vector.shape_cast %swap3A_115 : vector<1x16xf32> to vector<16xf32>
      %swap3A_117 = vector.shape_cast %broadcast_in_dim3A_112 : vector<16xf32> to vector<1x16xf32>
      tpu.vector_store %arg15[%swap3A_113, %swap3A_114], %swap3A_117 {strides = array<i32>} : memref<40x128xf32, #tpu.memory_space<vmem>>, vector<1x16xf32>,
      %broadcast_in_dim3A_118 = arith.constant 0.000000e+00 : f32
      %broadcast_in_dim3A_119 = vector.broadcast %broadcast_in_dim3A_118 : f32 to vector<16xf32>
      %swap3A_120 = arith.index_cast %scan3A_98 : i32 to index
      %swap3A_121 = arith.constant 48 : index
      %swap3A_122 = tpu.vector_load %arg15[%swap3A_120, %swap3A_121] {strides = array<i32>} : memref<40x128xf32, #tpu.memory_space<vmem>>, vector<1x16xf32>,
      %swap3A_123 = vector.shape_cast %swap3A_122 : vector<1x16xf32> to vector<16xf32>
      %swap3A_124 = vector.shape_cast %broadcast_in_dim3A_119 : vector<16xf32> to vector<1x16xf32>
      tpu.vector_store %arg15[%swap3A_120, %swap3A_121], %swap3A_124 {strides = array<i32>} : memref<40x128xf32, #tpu.memory_space<vmem>>, vector<1x16xf32>,
      %broadcast_in_dim3A_125 = arith.constant 0.000000e+00 : f32
      %broadcast_in_dim3A_126 = vector.broadcast %broadcast_in_dim3A_125 : f32 to vector<16xf32>
      %swap3A_127 = arith.index_cast %scan3A_98 : i32 to index
      %swap3A_128 = arith.constant 64 : index
      %swap3A_129 = tpu.vector_load %arg15[%swap3A_127, %swap3A_128] {strides = array<i32>} : memref<40x128xf32, #tpu.memory_space<vmem>>, vector<1x16xf32>,
      %swap3A_130 = vector.shape_cast %swap3A_129 : vector<1x16xf32> to vector<16xf32>
      %swap3A_131 = vector.shape_cast %broadcast_in_dim3A_126 : vector<16xf32> to vector<1x16xf32>
      tpu.vector_store %arg15[%swap3A_127, %swap3A_128], %swap3A_131 {strides = array<i32>} : memref<40x128xf32, #tpu.memory_space<vmem>>, vector<1x16xf32>,
      %broadcast_in_dim3A_132 = arith.constant 0.000000e+00 : f32
      %broadcast_in_dim3A_133 = vector.broadcast %broadcast_in_dim3A_132 : f32 to vector<16xf32>
      %swap3A_134 = arith.index_cast %scan3A_98 : i32 to index
      %swap3A_135 = arith.constant 80 : index
      %swap3A_136 = tpu.vector_load %arg15[%swap3A_134, %swap3A_135] {strides = array<i32>} : memref<40x128xf32, #tpu.memory_space<vmem>>, vector<1x16xf32>,
      %swap3A_137 = vector.shape_cast %swap3A_136 : vector<1x16xf32> to vector<16xf32>
      %swap3A_138 = vector.shape_cast %broadcast_in_dim3A_133 : vector<16xf32> to vector<1x16xf32>
      tpu.vector_store %arg15[%swap3A_134, %swap3A_135], %swap3A_138 {strides = array<i32>} : memref<40x128xf32, #tpu.memory_space<vmem>>, vector<1x16xf32>,
      %broadcast_in_dim3A_139 = arith.constant 0.000000e+00 : f32
      %broadcast_in_dim3A_140 = vector.broadcast %broadcast_in_dim3A_139 : f32 to vector<16xf32>
      %swap3A_141 = arith.index_cast %scan3A_98 : i32 to index
      %swap3A_142 = arith.constant 96 : index
      %swap3A_143 = tpu.vector_load %arg15[%swap3A_141, %swap3A_142] {strides = array<i32>} : memref<40x128xf32, #tpu.memory_space<vmem>>, vector<1x16xf32>,
      %swap3A_144 = vector.shape_cast %swap3A_143 : vector<1x16xf32> to vector<16xf32>
      %swap3A_145 = vector.shape_cast %broadcast_in_dim3A_140 : vector<16xf32> to vector<1x16xf32>
      tpu.vector_store %arg15[%swap3A_141, %swap3A_142], %swap3A_145 {strides = array<i32>} : memref<40x128xf32, #tpu.memory_space<vmem>>, vector<1x16xf32>,
      %broadcast_in_dim3A_146 = arith.constant 0.000000e+00 : f32
      %broadcast_in_dim3A_147 = vector.broadcast %broadcast_in_dim3A_146 : f32 to vector<16xf32>
      %swap3A_148 = arith.index_cast %scan3A_98 : i32 to index
      %swap3A_149 = arith.constant 112 : index
      %swap3A_150 = tpu.vector_load %arg15[%swap3A_148, %swap3A_149] {strides = array<i32>} : memref<40x128xf32, #tpu.memory_space<vmem>>, vector<1x16xf32>,
      %swap3A_151 = vector.shape_cast %swap3A_150 : vector<1x16xf32> to vector<16xf32>
      %swap3A_152 = vector.shape_cast %broadcast_in_dim3A_147 : vector<16xf32> to vector<1x16xf32>
      tpu.vector_store %arg15[%swap3A_148, %swap3A_149], %swap3A_152 {strides = array<i32>} : memref<40x128xf32, #tpu.memory_space<vmem>>, vector<1x16xf32>,
    }
    %scan3A_9 = arith.constant 40 : i32
    %eq3A = arith.constant 15 : i32
    %eq3A_10 = arith.cmpi eq, %arg1, %eq3A : i32
    %jit3A = arith.constant 16 : i32
    %jit3A_11 = arith.constant 15 : i32
    %select_n3A = arith.select %eq3A_10, %jit3A, %jit3A_11 : i32
    %while3A = arith.constant 0 : i32
    %while3A_12 = arith.constant 0 : i32
    %while3A_13 = arith.subi %select_n3A, %while3A_12 : i32
    %while3A_14 = arith.addi %while3A_12, %while3A_13 : i32
    %while3A_15 = arith.constant 1 : i32
    %while3A_16 = arith.divsi %while3A_13, %while3A_15 : i32
    %while3A_17 = arith.muli %while3A_16, %while3A_15 : i32
    %while3A_18 = arith.addi %while3A_12, %while3A_17 : i32
    %while3A_19 = arith.constant 1 : i32
    scf.for %while3A_98 = %while3A_12 to %while3A_18 step %while3A_19  : i32 {
      %mul3A_99 = arith.constant 40 : i32
      %mul3A_100 = arith.muli %while3A_98, %mul3A_99 : i32
      %add3A_101 = arith.addi %mul3A_4, %mul3A_100 : i32
      %dma_start3A_102 = arith.constant 0 : i32
      %dma_start3A_103 = tpu.memref_slice %arg17[%add3A_101, %dma_start3A_102] : memref<10000x128xf32, #tpu.memory_space<vmem_shared>> -> memref<40x128xf32, #tpu.memory_space<vmem_shared>>
      %dma_start3A_104 = arith.constant 0 : i32
      %dma_start3A_105 = tpu.memref_slice %arg17[%add3A_101, %dma_start3A_104] : memref<10000x128xf32, #tpu.memory_space<vmem_shared>> -> memref<40x128xf32, #tpu.memory_space<vmem_shared>>
      tpu.enqueue_dma source(%arg15 : memref<40x128xf32, #tpu.memory_space<vmem>>) target(%dma_start3A_105 : memref<40x128xf32, #tpu.memory_space<vmem_shared>>) target_semaphore(%arg26 : memref<!tpu.dma_semaphore, #tpu.memory_space<semaphore_mem>>)
    }
    %while3A_20 = arith.constant 1 : i32
    scf.for %while3A_98 = %while3A_18 to %while3A_14 step %while3A_20  : i32 {
      %mul3A_99 = arith.constant 40 : i32
      %mul3A_100 = arith.muli %while3A_98, %mul3A_99 : i32
      %add3A_101 = arith.addi %mul3A_4, %mul3A_100 : i32
      %dma_start3A_102 = arith.constant 0 : i32
      %dma_start3A_103 = tpu.memref_slice %arg17[%add3A_101, %dma_start3A_102] : memref<10000x128xf32, #tpu.memory_space<vmem_shared>> -> memref<40x128xf32, #tpu.memory_space<vmem_shared>>
      %dma_start3A_104 = arith.constant 0 : i32
      %dma_start3A_105 = tpu.memref_slice %arg17[%add3A_101, %dma_start3A_104] : memref<10000x128xf32, #tpu.memory_space<vmem_shared>> -> memref<40x128xf32, #tpu.memory_space<vmem_shared>>
      tpu.enqueue_dma source(%arg15 : memref<40x128xf32, #tpu.memory_space<vmem>>) target(%dma_start3A_105 : memref<40x128xf32, #tpu.memory_space<vmem_shared>>) target_semaphore(%arg26 : memref<!tpu.dma_semaphore, #tpu.memory_space<semaphore_mem>>)
    }
    %lt3A = arith.constant 15 : i32
    %lt3A_21 = arith.cmpi slt, %arg1, %lt3A : i32
    %convert_element_type3A = arith.extui %lt3A_21 : i1 to i32
    %cond3A = arith.constant 0 : i32
    %cond3A_22 = arith.cmpi ne, %convert_element_type3A, %cond3A : i32
    scf.if %cond3A_22 {
      %add3A_98 = arith.constant 600 : i32
      %add3A_99 = arith.addi %mul3A_4, %add3A_98 : i32
      %dma_start3A_100 = arith.constant 0 : i32
      %dma_start3A_101 = arith.constant 0 : i32
      %dma_start3A_102 = tpu.memref_slice %arg15[%dma_start3A_100, %dma_start3A_101] : memref<40x128xf32, #tpu.memory_space<vmem>> -> memref<24x128xf32, #tpu.memory_space<vmem>>
      %dma_start3A_103 = arith.constant 0 : i32
      %dma_start3A_104 = tpu.memref_slice %arg17[%add3A_99, %dma_start3A_103] : memref<10000x128xf32, #tpu.memory_space<vmem_shared>> -> memref<24x128xf32, #tpu.memory_space<vmem_shared>>
      %dma_start3A_105 = arith.constant 0 : i32
      %dma_start3A_106 = tpu.memref_slice %arg17[%add3A_99, %dma_start3A_105] : memref<10000x128xf32, #tpu.memory_space<vmem_shared>> -> memref<24x128xf32, #tpu.memory_space<vmem_shared>>
      %dma_start3A_107 = arith.constant 0 : i32
      %dma_start3A_108 = arith.constant 0 : i32
      %dma_start3A_109 = tpu.memref_slice %arg15[%dma_start3A_107, %dma_start3A_108] : memref<40x128xf32, #tpu.memory_space<vmem>> -> memref<24x128xf32, #tpu.memory_space<vmem>>
      tpu.enqueue_dma source(%dma_start3A_109 : memref<24x128xf32, #tpu.memory_space<vmem>>) target(%dma_start3A_106 : memref<24x128xf32, #tpu.memory_space<vmem_shared>>) target_semaphore(%arg26 : memref<!tpu.dma_semaphore, #tpu.memory_space<semaphore_mem>>)
    } else {
    }
    %while3A_23 = arith.constant 0 : i32
    %while3A_24 = arith.constant 0 : i32
    %while3A_25 = arith.subi %select_n3A, %while3A_24 : i32
    %while3A_26 = arith.addi %while3A_24, %while3A_25 : i32
    %while3A_27 = arith.constant 1 : i32
    %while3A_28 = arith.divsi %while3A_25, %while3A_27 : i32
    %while3A_29 = arith.muli %while3A_28, %while3A_27 : i32
    %while3A_30 = arith.addi %while3A_24, %while3A_29 : i32
    %while3A_31 = arith.constant 1 : i32
    scf.for %while3A_98 = %while3A_24 to %while3A_30 step %while3A_31  : i32 {
      %dma_wait3A_99 = arith.constant 0 : i32
      %dma_wait3A_100 = tpu.memref_slice %arg17[%mul3A_4, %dma_wait3A_99] : memref<10000x128xf32, #tpu.memory_space<vmem_shared>> -> memref<40x128xf32, #tpu.memory_space<vmem_shared>>
      %dma_wait3A_101 = arith.constant 0 : i32
      %dma_wait3A_102 = tpu.memref_slice %arg17[%mul3A_4, %dma_wait3A_101] : memref<10000x128xf32, #tpu.memory_space<vmem_shared>> -> memref<40x128xf32, #tpu.memory_space<vmem_shared>>
      tpu.wait_dma2 semaphore(%arg26 : memref<!tpu.dma_semaphore, #tpu.memory_space<semaphore_mem>>) src(%arg15 : memref<40x128xf32, #tpu.memory_space<vmem>>) dst(%dma_wait3A_102 : memref<40x128xf32, #tpu.memory_space<vmem_shared>>)
    }
    %while3A_32 = arith.constant 1 : i32
    scf.for %while3A_98 = %while3A_30 to %while3A_26 step %while3A_32  : i32 {
      %dma_wait3A_99 = arith.constant 0 : i32
      %dma_wait3A_100 = tpu.memref_slice %arg17[%mul3A_4, %dma_wait3A_99] : memref<10000x128xf32, #tpu.memory_space<vmem_shared>> -> memref<40x128xf32, #tpu.memory_space<vmem_shared>>
      %dma_wait3A_101 = arith.constant 0 : i32
      %dma_wait3A_102 = tpu.memref_slice %arg17[%mul3A_4, %dma_wait3A_101] : memref<10000x128xf32, #tpu.memory_space<vmem_shared>> -> memref<40x128xf32, #tpu.memory_space<vmem_shared>>
      tpu.wait_dma2 semaphore(%arg26 : memref<!tpu.dma_semaphore, #tpu.memory_space<semaphore_mem>>) src(%arg15 : memref<40x128xf32, #tpu.memory_space<vmem>>) dst(%dma_wait3A_102 : memref<40x128xf32, #tpu.memory_space<vmem_shared>>)
    }
    %lt3A_33 = arith.constant 15 : i32
    %lt3A_34 = arith.cmpi slt, %arg1, %lt3A_33 : i32
    %convert_element_type3A_35 = arith.extui %lt3A_34 : i1 to i32
    %cond3A_36 = arith.constant 0 : i32
    %cond3A_37 = arith.cmpi ne, %convert_element_type3A_35, %cond3A_36 : i32
    scf.if %cond3A_37 {
      %dma_wait3A_98 = arith.constant 0 : i32
      %dma_wait3A_99 = arith.constant 0 : i32
      %dma_wait3A_100 = tpu.memref_slice %arg15[%dma_wait3A_98, %dma_wait3A_99] : memref<40x128xf32, #tpu.memory_space<vmem>> -> memref<24x128xf32, #tpu.memory_space<vmem>>
      %dma_wait3A_101 = arith.constant 0 : i32
      %dma_wait3A_102 = tpu.memref_slice %arg17[%mul3A_4, %dma_wait3A_101] : memref<10000x128xf32, #tpu.memory_space<vmem_shared>> -> memref<24x128xf32, #tpu.memory_space<vmem_shared>>
      %dma_wait3A_103 = arith.constant 0 : i32
      %dma_wait3A_104 = tpu.memref_slice %arg17[%mul3A_4, %dma_wait3A_103] : memref<10000x128xf32, #tpu.memory_space<vmem_shared>> -> memref<24x128xf32, #tpu.memory_space<vmem_shared>>
      %dma_wait3A_105 = arith.constant 0 : i32
      %dma_wait3A_106 = arith.constant 0 : i32
      %dma_wait3A_107 = tpu.memref_slice %arg15[%dma_wait3A_105, %dma_wait3A_106] : memref<40x128xf32, #tpu.memory_space<vmem>> -> memref<24x128xf32, #tpu.memory_space<vmem>>
      tpu.wait_dma2 semaphore(%arg26 : memref<!tpu.dma_semaphore, #tpu.memory_space<semaphore_mem>>) src(%dma_wait3A_107 : memref<24x128xf32, #tpu.memory_space<vmem>>) dst(%dma_wait3A_104 : memref<24x128xf32, #tpu.memory_space<vmem_shared>>)
    } else {
    }
    %barrier3A = arith.constant 0 : index
    tpu.barrier barrier_id(%barrier3A)
    %add3A_38 = arith.constant 0 : i32
    %add3A_39 = arith.addi %mul3A_2, %add3A_38 : i32
    %dma_start3A = tpu.memref_slice %arg3[%add3A_39] : memref<320000xi32, #tpu.memory_space<hbm>> -> memref<40xi32, #tpu.memory_space<hbm>>
    %dma_start3A_40 = tpu.memref_slice %arg3[%add3A_39] : memref<320000xi32, #tpu.memory_space<hbm>> -> memref<40xi32, #tpu.memory_space<hbm>>
    tpu.enqueue_dma source(%dma_start3A_40 : memref<40xi32, #tpu.memory_space<hbm>>) target(%arg7 : memref<40xi32, #tpu.memory_space<vmem>>) target_semaphore(%arg18 : memref<!tpu.dma_semaphore, #tpu.memory_space<semaphore_mem>>)
    %add3A_41 = arith.constant 40 : i32
    %add3A_42 = arith.addi %mul3A_2, %add3A_41 : i32
    %dma_start3A_43 = tpu.memref_slice %arg3[%add3A_42] : memref<320000xi32, #tpu.memory_space<hbm>> -> memref<40xi32, #tpu.memory_space<hbm>>
    %dma_start3A_44 = tpu.memref_slice %arg3[%add3A_42] : memref<320000xi32, #tpu.memory_space<hbm>> -> memref<40xi32, #tpu.memory_space<hbm>>
    tpu.enqueue_dma source(%dma_start3A_44 : memref<40xi32, #tpu.memory_space<hbm>>) target(%arg8 : memref<40xi32, #tpu.memory_space<vmem>>) target_semaphore(%arg19 : memref<!tpu.dma_semaphore, #tpu.memory_space<semaphore_mem>>)
    %dma_start3A_45 = arith.constant 0 : i32
    %dma_start3A_46 = arith.constant 0 : i32
    %dma_start3A_47 = arith.constant 0 : i32
    %dma_start3A_48 = tpu.memref_slice %arg5[%add3A, %dma_start3A_45, %dma_start3A_46, %dma_start3A_47] : memref<32x250x40x16xf32, #tpu.memory_space<hbm>> -> memref<1x1x40x16xf32, #tpu.memory_space<hbm>>
    %dma_start3A_49 = tpu.memref_squeeze %dma_start3A_48 : memref<1x1x40x16xf32, #tpu.memory_space<hbm>> -> memref<40x16xf32, #tpu.memory_space<hbm>>
    %dma_start3A_50 = arith.constant 0 : i32
    %dma_start3A_51 = arith.constant 0 : i32
    %dma_start3A_52 = tpu.memref_slice %arg5[%add3A, %dma_start3A_45, %dma_start3A_50, %dma_start3A_51] : memref<32x250x40x16xf32, #tpu.memory_space<hbm>> -> memref<1x1x40x16xf32, #tpu.memory_space<hbm>>
    %dma_start3A_53 = tpu.memref_squeeze %dma_start3A_52 : memref<1x1x40x16xf32, #tpu.memory_space<hbm>> -> memref<40x16xf32, #tpu.memory_space<hbm>>
    tpu.enqueue_dma source(%dma_start3A_53 : memref<40x16xf32, #tpu.memory_space<hbm>>) target(%arg11 : memref<40x16xf32, #tpu.memory_space<vmem>>) target_semaphore(%arg22 : memref<!tpu.dma_semaphore, #tpu.memory_space<semaphore_mem>>)
    %dma_start3A_54 = arith.constant 1 : i32
    %dma_start3A_55 = arith.constant 0 : i32
    %dma_start3A_56 = arith.constant 0 : i32
    %dma_start3A_57 = tpu.memref_slice %arg5[%add3A, %dma_start3A_54, %dma_start3A_55, %dma_start3A_56] : memref<32x250x40x16xf32, #tpu.memory_space<hbm>> -> memref<1x1x40x16xf32, #tpu.memory_space<hbm>>
    %dma_start3A_58 = tpu.memref_squeeze %dma_start3A_57 : memref<1x1x40x16xf32, #tpu.memory_space<hbm>> -> memref<40x16xf32, #tpu.memory_space<hbm>>
    %dma_start3A_59 = arith.constant 0 : i32
    %dma_start3A_60 = arith.constant 0 : i32
    %dma_start3A_61 = tpu.memref_slice %arg5[%add3A, %dma_start3A_54, %dma_start3A_59, %dma_start3A_60] : memref<32x250x40x16xf32, #tpu.memory_space<hbm>> -> memref<1x1x40x16xf32, #tpu.memory_space<hbm>>
    %dma_start3A_62 = tpu.memref_squeeze %dma_start3A_61 : memref<1x1x40x16xf32, #tpu.memory_space<hbm>> -> memref<40x16xf32, #tpu.memory_space<hbm>>
    tpu.enqueue_dma source(%dma_start3A_62 : memref<40x16xf32, #tpu.memory_space<hbm>>) target(%arg12 : memref<40x16xf32, #tpu.memory_space<vmem>>) target_semaphore(%arg23 : memref<!tpu.dma_semaphore, #tpu.memory_space<semaphore_mem>>)
    %dma_wait3A = tpu.memref_slice %arg3[%mul3A_2] : memref<320000xi32, #tpu.memory_space<hbm>> -> memref<40xi32, #tpu.memory_space<hbm>>
    %dma_wait3A_63 = tpu.memref_slice %arg3[%mul3A_2] : memref<320000xi32, #tpu.memory_space<hbm>> -> memref<40xi32, #tpu.memory_space<hbm>>
    tpu.wait_dma2 semaphore(%arg18 : memref<!tpu.dma_semaphore, #tpu.memory_space<semaphore_mem>>) src(%dma_wait3A_63 : memref<40xi32, #tpu.memory_space<hbm>>) dst(%arg7 : memref<40xi32, #tpu.memory_space<vmem>>)
    %dma_start3A_64 = arith.constant 0 : i32
    %dma_start3A_65 = arith.constant 0 : i32
    %dma_start3A_66 = tpu.memref_slice %arg2[%dma_start3A_64, %dma_start3A_65] : memref<10000x128xf32, #tpu.memory_space<hbm>> -> memref<10000x128xf32, #tpu.memory_space<hbm>>
    tpu.enqueue_indirect_dma source(%dma_start3A_66 : memref<10000x128xf32, #tpu.memory_space<hbm>>) target(%arg13 : memref<40x128xf32, #tpu.memory_space<vmem>>) offsets(%arg7 : memref<40xi32, #tpu.memory_space<vmem>>) semaphore(%arg24 : memref<!tpu.dma_semaphore, #tpu.memory_space<semaphore_mem>>)
    %dma_wait3A_67 = tpu.memref_slice %arg3[%mul3A_2] : memref<320000xi32, #tpu.memory_space<hbm>> -> memref<40xi32, #tpu.memory_space<hbm>>
    %dma_wait3A_68 = tpu.memref_slice %arg3[%mul3A_2] : memref<320000xi32, #tpu.memory_space<hbm>> -> memref<40xi32, #tpu.memory_space<hbm>>
    tpu.wait_dma2 semaphore(%arg19 : memref<!tpu.dma_semaphore, #tpu.memory_space<semaphore_mem>>) src(%dma_wait3A_68 : memref<40xi32, #tpu.memory_space<hbm>>) dst(%arg8 : memref<40xi32, #tpu.memory_space<vmem>>)
    %dma_start3A_69 = arith.constant 0 : i32
    %dma_start3A_70 = arith.constant 0 : i32
    %dma_start3A_71 = tpu.memref_slice %arg2[%dma_start3A_69, %dma_start3A_70] : memref<10000x128xf32, #tpu.memory_space<hbm>> -> memref<10000x128xf32, #tpu.memory_space<hbm>>
    tpu.enqueue_indirect_dma source(%dma_start3A_71 : memref<10000x128xf32, #tpu.memory_space<hbm>>) target(%arg14 : memref<40x128xf32, #tpu.memory_space<vmem>>) offsets(%arg8 : memref<40xi32, #tpu.memory_space<vmem>>) semaphore(%arg25 : memref<!tpu.dma_semaphore, #tpu.memory_space<semaphore_mem>>)
    %scan3A_72 = arith.constant 0 : i32
    %scan3A_73 = arith.constant 0 : i32
    %scan3A_74 = arith.constant 125 : i32
    %scan3A_75 = arith.addi %scan3A_73, %scan3A_74 : i32
    %scan3A_76 = arith.constant 1 : i32
    scf.for %scan3A_98 = %scan3A_73 to %scan3A_75 step %scan3A_76  : i32 {
      %mul3A_99 = arith.constant 2 : i32
      %mul3A_100 = arith.muli %mul3A_99, %scan3A_98 : i32
      %lt3A_101 = arith.constant 124 : i32
      %lt3A_102 = arith.cmpi slt, %scan3A_98, %lt3A_101 : i32
      %dma_wait3A_103 = arith.constant 0 : i32
      %dma_wait3A_104 = arith.constant 0 : i32
      %dma_wait3A_105 = tpu.memref_slice %arg2[%dma_wait3A_103, %dma_wait3A_104] : memref<10000x128xf32, #tpu.memory_space<hbm>> -> memref<10000x128xf32, #tpu.memory_space<hbm>>
      tpu.wait_indirect_dma semaphore(%arg24 : memref<!tpu.dma_semaphore, #tpu.memory_space<semaphore_mem>>) src(%dma_wait3A_105 : memref<10000x128xf32, #tpu.memory_space<hbm>>) dst(%arg13 : memref<40x128xf32, #tpu.memory_space<vmem>>)
      %convert_element_type3A_106 = arith.extui %lt3A_102 : i1 to i32
      %cond3A_107 = arith.constant 0 : i32
      %cond3A_108 = arith.cmpi ne, %convert_element_type3A_106, %cond3A_107 : i32
      scf.if %cond3A_108 {
        %add3A_186 = arith.constant 2 : i32
        %add3A_187 = arith.addi %mul3A_100, %add3A_186 : i32
        %mul3A_188 = arith.constant 40 : i32
        %mul3A_189 = arith.muli %add3A_187, %mul3A_188 : i32
        %add3A_190 = arith.addi %mul3A_2, %mul3A_189 : i32
        %dma_start3A_191 = tpu.memref_slice %arg3[%add3A_190] : memref<320000xi32, #tpu.memory_space<hbm>> -> memref<40xi32, #tpu.memory_space<hbm>>
        %dma_start3A_192 = tpu.memref_slice %arg3[%add3A_190] : memref<320000xi32, #tpu.memory_space<hbm>> -> memref<40xi32, #tpu.memory_space<hbm>>
        tpu.enqueue_dma source(%dma_start3A_192 : memref<40xi32, #tpu.memory_space<hbm>>) target(%arg7 : memref<40xi32, #tpu.memory_space<vmem>>) target_semaphore(%arg18 : memref<!tpu.dma_semaphore, #tpu.memory_space<semaphore_mem>>)
      } else {
      }
      %gt3A = arith.constant 0 : i32
      %gt3A_109 = arith.cmpi sgt, %scan3A_98, %gt3A : i32
      %convert_element_type3A_110 = arith.extui %gt3A_109 : i1 to i32
      %cond3A_111 = arith.constant 0 : i32
      %cond3A_112 = arith.cmpi ne, %convert_element_type3A_110, %cond3A_111 : i32
      scf.if %cond3A_112 {
        %dma_wait3A_186 = arith.constant 0 : i32
        %dma_wait3A_187 = arith.constant 0 : i32
        %dma_wait3A_188 = tpu.memref_slice %arg17[%dma_wait3A_186, %dma_wait3A_187] : memref<10000x128xf32, #tpu.memory_space<vmem_shared>> -> memref<10000x128xf32, #tpu.memory_space<vmem_shared>>
        tpu.wait_indirect_dma semaphore(%arg26 : memref<!tpu.dma_semaphore, #tpu.memory_space<semaphore_mem>>) src(%arg15 : memref<40x128xf32, #tpu.memory_space<vmem>>) dst(%dma_wait3A_188 : memref<10000x128xf32, #tpu.memory_space<vmem_shared>>)
      } else {
      }
      %mul3A_113 = arith.constant 40 : i32
      %mul3A_114 = arith.muli %mul3A_100, %mul3A_113 : i32
      %add3A_115 = arith.addi %mul3A_2, %mul3A_114 : i32
      %dma_start3A_116 = tpu.memref_slice %arg4[%add3A_115] : memref<320000xi32, #tpu.memory_space<hbm>> -> memref<40xi32, #tpu.memory_space<hbm>>
      %dma_start3A_117 = tpu.memref_slice %arg4[%add3A_115] : memref<320000xi32, #tpu.memory_space<hbm>> -> memref<40xi32, #tpu.memory_space<hbm>>
      tpu.enqueue_dma source(%dma_start3A_117 : memref<40xi32, #tpu.memory_space<hbm>>) target(%arg9 : memref<40xi32, #tpu.memory_space<vmem>>) target_semaphore(%arg20 : memref<!tpu.dma_semaphore, #tpu.memory_space<semaphore_mem>>)
      %dma_wait3A_118 = arith.constant 0 : i32
      %dma_wait3A_119 = arith.constant 0 : i32
      %dma_wait3A_120 = arith.constant 0 : i32
      %dma_wait3A_121 = tpu.memref_slice %arg5[%add3A, %dma_wait3A_118, %dma_wait3A_119, %dma_wait3A_120] : memref<32x250x40x16xf32, #tpu.memory_space<hbm>> -> memref<1x1x40x16xf32, #tpu.memory_space<hbm>>
      %dma_wait3A_122 = tpu.memref_squeeze %dma_wait3A_121 : memref<1x1x40x16xf32, #tpu.memory_space<hbm>> -> memref<40x16xf32, #tpu.memory_space<hbm>>
      %dma_wait3A_123 = arith.constant 0 : i32
      %dma_wait3A_124 = arith.constant 0 : i32
      %dma_wait3A_125 = tpu.memref_slice %arg5[%add3A, %dma_wait3A_118, %dma_wait3A_123, %dma_wait3A_124] : memref<32x250x40x16xf32, #tpu.memory_space<hbm>> -> memref<1x1x40x16xf32, #tpu.memory_space<hbm>>
      %dma_wait3A_126 = tpu.memref_squeeze %dma_wait3A_125 : memref<1x1x40x16xf32, #tpu.memory_space<hbm>> -> memref<40x16xf32, #tpu.memory_space<hbm>>
      tpu.wait_dma2 semaphore(%arg22 : memref<!tpu.dma_semaphore, #tpu.memory_space<semaphore_mem>>) src(%dma_wait3A_126 : memref<40x16xf32, #tpu.memory_space<hbm>>) dst(%arg11 : memref<40x16xf32, #tpu.memory_space<vmem>>)
      %scan3A_127 = arith.constant 0 : i32
      %scan3A_128 = arith.constant 0 : i32
      %scan3A_129 = arith.constant 40 : i32
      %scan3A_130 = arith.addi %scan3A_128, %scan3A_129 : i32
      %scan3A_131 = arith.constant 1 : i32
      scf.for %scan3A_186 = %scan3A_128 to %scan3A_130 step %scan3A_131  : i32 {
        %get3A = arith.index_cast %scan3A_186 : i32 to index
        %get3A_187 = arith.constant 0 : index
        %get3A_188 = tpu.vector_load %arg11[%get3A, %get3A_187] {strides = array<i32>} : memref<40x16xf32, #tpu.memory_space<vmem>>, vector<1x16xf32>,
        %get3A_189 = vector.shape_cast %get3A_188 : vector<1x16xf32> to vector<16xf32>
        %get3A_190 = arith.index_cast %scan3A_186 : i32 to index
        %get3A_191 = arith.constant 0 : index
        %get3A_192 = tpu.vector_load %arg13[%get3A_190, %get3A_191] {strides = array<i32>} : memref<40x128xf32, #tpu.memory_space<vmem>>, vector<1x16xf32>,
        %get3A_193 = vector.shape_cast %get3A_192 : vector<1x16xf32> to vector<16xf32>
        %mul3A_194 = arith.mulf %get3A_193, %get3A_189 : vector<16xf32>
        %swap3A = arith.index_cast %scan3A_186 : i32 to index
        %swap3A_195 = arith.constant 0 : index
        %swap3A_196 = tpu.vector_load %arg15[%swap3A, %swap3A_195] {strides = array<i32>} : memref<40x128xf32, #tpu.memory_space<vmem>>, vector<1x16xf32>,
        %swap3A_197 = vector.shape_cast %swap3A_196 : vector<1x16xf32> to vector<16xf32>
        %swap3A_198 = vector.shape_cast %mul3A_194 : vector<16xf32> to vector<1x16xf32>
        tpu.vector_store %arg15[%swap3A, %swap3A_195], %swap3A_198 {strides = array<i32>} : memref<40x128xf32, #tpu.memory_space<vmem>>, vector<1x16xf32>,
        %get3A_199 = arith.index_cast %scan3A_186 : i32 to index
        %get3A_200 = arith.constant 16 : index
        %get3A_201 = tpu.vector_load %arg13[%get3A_199, %get3A_200] {strides = array<i32>} : memref<40x128xf32, #tpu.memory_space<vmem>>, vector<1x16xf32>,
        %get3A_202 = vector.shape_cast %get3A_201 : vector<1x16xf32> to vector<16xf32>
        %mul3A_203 = arith.mulf %get3A_202, %get3A_189 : vector<16xf32>
        %swap3A_204 = arith.index_cast %scan3A_186 : i32 to index
        %swap3A_205 = arith.constant 16 : index
        %swap3A_206 = tpu.vector_load %arg15[%swap3A_204, %swap3A_205] {strides = array<i32>} : memref<40x128xf32, #tpu.memory_space<vmem>>, vector<1x16xf32>,
        %swap3A_207 = vector.shape_cast %swap3A_206 : vector<1x16xf32> to vector<16xf32>
        %swap3A_208 = vector.shape_cast %mul3A_203 : vector<16xf32> to vector<1x16xf32>
        tpu.vector_store %arg15[%swap3A_204, %swap3A_205], %swap3A_208 {strides = array<i32>} : memref<40x128xf32, #tpu.memory_space<vmem>>, vector<1x16xf32>,
        %get3A_209 = arith.index_cast %scan3A_186 : i32 to index
        %get3A_210 = arith.constant 32 : index
        %get3A_211 = tpu.vector_load %arg13[%get3A_209, %get3A_210] {strides = array<i32>} : memref<40x128xf32, #tpu.memory_space<vmem>>, vector<1x16xf32>,
        %get3A_212 = vector.shape_cast %get3A_211 : vector<1x16xf32> to vector<16xf32>
        %mul3A_213 = arith.mulf %get3A_212, %get3A_189 : vector<16xf32>
        %swap3A_214 = arith.index_cast %scan3A_186 : i32 to index
        %swap3A_215 = arith.constant 32 : index
        %swap3A_216 = tpu.vector_load %arg15[%swap3A_214, %swap3A_215] {strides = array<i32>} : memref<40x128xf32, #tpu.memory_space<vmem>>, vector<1x16xf32>,
        %swap3A_217 = vector.shape_cast %swap3A_216 : vector<1x16xf32> to vector<16xf32>
        %swap3A_218 = vector.shape_cast %mul3A_213 : vector<16xf32> to vector<1x16xf32>
        tpu.vector_store %arg15[%swap3A_214, %swap3A_215], %swap3A_218 {strides = array<i32>} : memref<40x128xf32, #tpu.memory_space<vmem>>, vector<1x16xf32>,
        %get3A_219 = arith.index_cast %scan3A_186 : i32 to index
        %get3A_220 = arith.constant 48 : index
        %get3A_221 = tpu.vector_load %arg13[%get3A_219, %get3A_220] {strides = array<i32>} : memref<40x128xf32, #tpu.memory_space<vmem>>, vector<1x16xf32>,
        %get3A_222 = vector.shape_cast %get3A_221 : vector<1x16xf32> to vector<16xf32>
        %mul3A_223 = arith.mulf %get3A_222, %get3A_189 : vector<16xf32>
        %swap3A_224 = arith.index_cast %scan3A_186 : i32 to index
        %swap3A_225 = arith.constant 48 : index
        %swap3A_226 = tpu.vector_load %arg15[%swap3A_224, %swap3A_225] {strides = array<i32>} : memref<40x128xf32, #tpu.memory_space<vmem>>, vector<1x16xf32>,
        %swap3A_227 = vector.shape_cast %swap3A_226 : vector<1x16xf32> to vector<16xf32>
        %swap3A_228 = vector.shape_cast %mul3A_223 : vector<16xf32> to vector<1x16xf32>
        tpu.vector_store %arg15[%swap3A_224, %swap3A_225], %swap3A_228 {strides = array<i32>} : memref<40x128xf32, #tpu.memory_space<vmem>>, vector<1x16xf32>,
        %get3A_229 = arith.index_cast %scan3A_186 : i32 to index
        %get3A_230 = arith.constant 64 : index
        %get3A_231 = tpu.vector_load %arg13[%get3A_229, %get3A_230] {strides = array<i32>} : memref<40x128xf32, #tpu.memory_space<vmem>>, vector<1x16xf32>,
        %get3A_232 = vector.shape_cast %get3A_231 : vector<1x16xf32> to vector<16xf32>
        %mul3A_233 = arith.mulf %get3A_232, %get3A_189 : vector<16xf32>
        %swap3A_234 = arith.index_cast %scan3A_186 : i32 to index
        %swap3A_235 = arith.constant 64 : index
        %swap3A_236 = tpu.vector_load %arg15[%swap3A_234, %swap3A_235] {strides = array<i32>} : memref<40x128xf32, #tpu.memory_space<vmem>>, vector<1x16xf32>,
        %swap3A_237 = vector.shape_cast %swap3A_236 : vector<1x16xf32> to vector<16xf32>
        %swap3A_238 = vector.shape_cast %mul3A_233 : vector<16xf32> to vector<1x16xf32>
        tpu.vector_store %arg15[%swap3A_234, %swap3A_235], %swap3A_238 {strides = array<i32>} : memref<40x128xf32, #tpu.memory_space<vmem>>, vector<1x16xf32>,
        %get3A_239 = arith.index_cast %scan3A_186 : i32 to index
        %get3A_240 = arith.constant 80 : index
        %get3A_241 = tpu.vector_load %arg13[%get3A_239, %get3A_240] {strides = array<i32>} : memref<40x128xf32, #tpu.memory_space<vmem>>, vector<1x16xf32>,
        %get3A_242 = vector.shape_cast %get3A_241 : vector<1x16xf32> to vector<16xf32>
        %mul3A_243 = arith.mulf %get3A_242, %get3A_189 : vector<16xf32>
        %swap3A_244 = arith.index_cast %scan3A_186 : i32 to index
        %swap3A_245 = arith.constant 80 : index
        %swap3A_246 = tpu.vector_load %arg15[%swap3A_244, %swap3A_245] {strides = array<i32>} : memref<40x128xf32, #tpu.memory_space<vmem>>, vector<1x16xf32>,
        %swap3A_247 = vector.shape_cast %swap3A_246 : vector<1x16xf32> to vector<16xf32>
        %swap3A_248 = vector.shape_cast %mul3A_243 : vector<16xf32> to vector<1x16xf32>
        tpu.vector_store %arg15[%swap3A_244, %swap3A_245], %swap3A_248 {strides = array<i32>} : memref<40x128xf32, #tpu.memory_space<vmem>>, vector<1x16xf32>,
        %get3A_249 = arith.index_cast %scan3A_186 : i32 to index
        %get3A_250 = arith.constant 96 : index
        %get3A_251 = tpu.vector_load %arg13[%get3A_249, %get3A_250] {strides = array<i32>} : memref<40x128xf32, #tpu.memory_space<vmem>>, vector<1x16xf32>,
        %get3A_252 = vector.shape_cast %get3A_251 : vector<1x16xf32> to vector<16xf32>
        %mul3A_253 = arith.mulf %get3A_252, %get3A_189 : vector<16xf32>
        %swap3A_254 = arith.index_cast %scan3A_186 : i32 to index
        %swap3A_255 = arith.constant 96 : index
        %swap3A_256 = tpu.vector_load %arg15[%swap3A_254, %swap3A_255] {strides = array<i32>} : memref<40x128xf32, #tpu.memory_space<vmem>>, vector<1x16xf32>,
        %swap3A_257 = vector.shape_cast %swap3A_256 : vector<1x16xf32> to vector<16xf32>
        %swap3A_258 = vector.shape_cast %mul3A_253 : vector<16xf32> to vector<1x16xf32>
        tpu.vector_store %arg15[%swap3A_254, %swap3A_255], %swap3A_258 {strides = array<i32>} : memref<40x128xf32, #tpu.memory_space<vmem>>, vector<1x16xf32>,
        %get3A_259 = arith.index_cast %scan3A_186 : i32 to index
        %get3A_260 = arith.constant 112 : index
        %get3A_261 = tpu.vector_load %arg13[%get3A_259, %get3A_260] {strides = array<i32>} : memref<40x128xf32, #tpu.memory_space<vmem>>, vector<1x16xf32>,
        %get3A_262 = vector.shape_cast %get3A_261 : vector<1x16xf32> to vector<16xf32>
        %mul3A_263 = arith.mulf %get3A_262, %get3A_189 : vector<16xf32>
        %swap3A_264 = arith.index_cast %scan3A_186 : i32 to index
        %swap3A_265 = arith.constant 112 : index
        %swap3A_266 = tpu.vector_load %arg15[%swap3A_264, %swap3A_265] {strides = array<i32>} : memref<40x128xf32, #tpu.memory_space<vmem>>, vector<1x16xf32>,
        %swap3A_267 = vector.shape_cast %swap3A_266 : vector<1x16xf32> to vector<16xf32>
        %swap3A_268 = vector.shape_cast %mul3A_263 : vector<16xf32> to vector<1x16xf32>
        tpu.vector_store %arg15[%swap3A_264, %swap3A_265], %swap3A_268 {strides = array<i32>} : memref<40x128xf32, #tpu.memory_space<vmem>>, vector<1x16xf32>,
      }
      %scan3A_132 = arith.constant 40 : i32
      %convert_element_type3A_133 = arith.extui %lt3A_102 : i1 to i32
      %cond3A_134 = arith.constant 0 : i32
      %cond3A_135 = arith.cmpi ne, %convert_element_type3A_133, %cond3A_134 : i32
      scf.if %cond3A_135 {
        %add3A_186 = arith.constant 2 : i32
        %add3A_187 = arith.addi %mul3A_100, %add3A_186 : i32
        %dma_start3A_188 = arith.constant 0 : i32
        %dma_start3A_189 = arith.constant 0 : i32
        %dma_start3A_190 = tpu.memref_slice %arg5[%add3A, %add3A_187, %dma_start3A_188, %dma_start3A_189] : memref<32x250x40x16xf32, #tpu.memory_space<hbm>> -> memref<1x1x40x16xf32, #tpu.memory_space<hbm>>
        %dma_start3A_191 = tpu.memref_squeeze %dma_start3A_190 : memref<1x1x40x16xf32, #tpu.memory_space<hbm>> -> memref<40x16xf32, #tpu.memory_space<hbm>>
        %dma_start3A_192 = arith.constant 0 : i32
        %dma_start3A_193 = arith.constant 0 : i32
        %dma_start3A_194 = tpu.memref_slice %arg5[%add3A, %add3A_187, %dma_start3A_192, %dma_start3A_193] : memref<32x250x40x16xf32, #tpu.memory_space<hbm>> -> memref<1x1x40x16xf32, #tpu.memory_space<hbm>>
        %dma_start3A_195 = tpu.memref_squeeze %dma_start3A_194 : memref<1x1x40x16xf32, #tpu.memory_space<hbm>> -> memref<40x16xf32, #tpu.memory_space<hbm>>
        tpu.enqueue_dma source(%dma_start3A_195 : memref<40x16xf32, #tpu.memory_space<hbm>>) target(%arg11 : memref<40x16xf32, #tpu.memory_space<vmem>>) target_semaphore(%arg22 : memref<!tpu.dma_semaphore, #tpu.memory_space<semaphore_mem>>)
        %dma_wait3A_196 = tpu.memref_slice %arg3[%mul3A_2] : memref<320000xi32, #tpu.memory_space<hbm>> -> memref<40xi32, #tpu.memory_space<hbm>>
        %dma_wait3A_197 = tpu.memref_slice %arg3[%mul3A_2] : memref<320000xi32, #tpu.memory_space<hbm>> -> memref<40xi32, #tpu.memory_space<hbm>>
        tpu.wait_dma2 semaphore(%arg18 : memref<!tpu.dma_semaphore, #tpu.memory_space<semaphore_mem>>) src(%dma_wait3A_197 : memref<40xi32, #tpu.memory_space<hbm>>) dst(%arg7 : memref<40xi32, #tpu.memory_space<vmem>>)
        %dma_start3A_198 = arith.constant 0 : i32
        %dma_start3A_199 = arith.constant 0 : i32
        %dma_start3A_200 = tpu.memref_slice %arg2[%dma_start3A_198, %dma_start3A_199] : memref<10000x128xf32, #tpu.memory_space<hbm>> -> memref<10000x128xf32, #tpu.memory_space<hbm>>
        tpu.enqueue_indirect_dma source(%dma_start3A_200 : memref<10000x128xf32, #tpu.memory_space<hbm>>) target(%arg13 : memref<40x128xf32, #tpu.memory_space<vmem>>) offsets(%arg7 : memref<40xi32, #tpu.memory_space<vmem>>) semaphore(%arg24 : memref<!tpu.dma_semaphore, #tpu.memory_space<semaphore_mem>>)
      } else {
      }
      %dma_wait3A_136 = tpu.memref_slice %arg4[%mul3A_2] : memref<320000xi32, #tpu.memory_space<hbm>> -> memref<40xi32, #tpu.memory_space<hbm>>
      %dma_wait3A_137 = tpu.memref_slice %arg4[%mul3A_2] : memref<320000xi32, #tpu.memory_space<hbm>> -> memref<40xi32, #tpu.memory_space<hbm>>
      tpu.wait_dma2 semaphore(%arg20 : memref<!tpu.dma_semaphore, #tpu.memory_space<semaphore_mem>>) src(%dma_wait3A_137 : memref<40xi32, #tpu.memory_space<hbm>>) dst(%arg9 : memref<40xi32, #tpu.memory_space<vmem>>)
      %dma_start3A_138 = arith.constant 0 : i32
      %dma_start3A_139 = arith.constant 0 : i32
      %dma_start3A_140 = tpu.memref_slice %arg17[%dma_start3A_138, %dma_start3A_139] : memref<10000x128xf32, #tpu.memory_space<vmem_shared>> -> memref<10000x128xf32, #tpu.memory_space<vmem_shared>>
      tpu.enqueue_indirect_dma source(%arg15 : memref<40x128xf32, #tpu.memory_space<vmem>>) target(%dma_start3A_140 : memref<10000x128xf32, #tpu.memory_space<vmem_shared>>) offsets(%arg9 : memref<40xi32, #tpu.memory_space<vmem>>) semaphore(%arg26 : memref<!tpu.dma_semaphore, #tpu.memory_space<semaphore_mem>>) {add = true}
      %mul3A_141 = arith.constant 2 : i32
      %mul3A_142 = arith.muli %mul3A_141, %scan3A_98 : i32
      %add3A_143 = arith.constant 1 : i32
      %add3A_144 = arith.addi %mul3A_142, %add3A_143 : i32
      %lt3A_145 = arith.constant 124 : i32
      %lt3A_146 = arith.cmpi slt, %scan3A_98, %lt3A_145 : i32
      %dma_wait3A_147 = arith.constant 0 : i32
      %dma_wait3A_148 = arith.constant 0 : i32
      %dma_wait3A_149 = tpu.memref_slice %arg2[%dma_wait3A_147, %dma_wait3A_148] : memref<10000x128xf32, #tpu.memory_space<hbm>> -> memref<10000x128xf32, #tpu.memory_space<hbm>>
      tpu.wait_indirect_dma semaphore(%arg25 : memref<!tpu.dma_semaphore, #tpu.memory_space<semaphore_mem>>) src(%dma_wait3A_149 : memref<10000x128xf32, #tpu.memory_space<hbm>>) dst(%arg14 : memref<40x128xf32, #tpu.memory_space<vmem>>)
      %convert_element_type3A_150 = arith.extui %lt3A_146 : i1 to i32
      %cond3A_151 = arith.constant 0 : i32
      %cond3A_152 = arith.cmpi ne, %convert_element_type3A_150, %cond3A_151 : i32
      scf.if %cond3A_152 {
        %add3A_186 = arith.constant 2 : i32
        %add3A_187 = arith.addi %add3A_144, %add3A_186 : i32
        %mul3A_188 = arith.constant 40 : i32
        %mul3A_189 = arith.muli %add3A_187, %mul3A_188 : i32
        %add3A_190 = arith.addi %mul3A_2, %mul3A_189 : i32
        %dma_start3A_191 = tpu.memref_slice %arg3[%add3A_190] : memref<320000xi32, #tpu.memory_space<hbm>> -> memref<40xi32, #tpu.memory_space<hbm>>
        %dma_start3A_192 = tpu.memref_slice %arg3[%add3A_190] : memref<320000xi32, #tpu.memory_space<hbm>> -> memref<40xi32, #tpu.memory_space<hbm>>
        tpu.enqueue_dma source(%dma_start3A_192 : memref<40xi32, #tpu.memory_space<hbm>>) target(%arg8 : memref<40xi32, #tpu.memory_space<vmem>>) target_semaphore(%arg19 : memref<!tpu.dma_semaphore, #tpu.memory_space<semaphore_mem>>)
      } else {
      }
      %gt3A_153 = arith.constant 0 : i32
      %gt3A_154 = arith.cmpi sgt, %scan3A_98, %gt3A_153 : i32
      %convert_element_type3A_155 = arith.extui %gt3A_154 : i1 to i32
      %cond3A_156 = arith.constant 0 : i32
      %cond3A_157 = arith.cmpi ne, %convert_element_type3A_155, %cond3A_156 : i32
      scf.if %cond3A_157 {
        %dma_wait3A_186 = arith.constant 0 : i32
        %dma_wait3A_187 = arith.constant 0 : i32
        %dma_wait3A_188 = tpu.memref_slice %arg17[%dma_wait3A_186, %dma_wait3A_187] : memref<10000x128xf32, #tpu.memory_space<vmem_shared>> -> memref<10000x128xf32, #tpu.memory_space<vmem_shared>>
        tpu.wait_indirect_dma semaphore(%arg27 : memref<!tpu.dma_semaphore, #tpu.memory_space<semaphore_mem>>) src(%arg16 : memref<40x128xf32, #tpu.memory_space<vmem>>) dst(%dma_wait3A_188 : memref<10000x128xf32, #tpu.memory_space<vmem_shared>>)
      } else {
      }
      %mul3A_158 = arith.constant 40 : i32
      %mul3A_159 = arith.muli %add3A_144, %mul3A_158 : i32
      %add3A_160 = arith.addi %mul3A_2, %mul3A_159 : i32
      %dma_start3A_161 = tpu.memref_slice %arg4[%add3A_160] : memref<320000xi32, #tpu.memory_space<hbm>> -> memref<40xi32, #tpu.memory_space<hbm>>
      %dma_start3A_162 = tpu.memref_slice %arg4[%add3A_160] : memref<320000xi32, #tpu.memory_space<hbm>> -> memref<40xi32, #tpu.memory_space<hbm>>
      tpu.enqueue_dma source(%dma_start3A_162 : memref<40xi32, #tpu.memory_space<hbm>>) target(%arg10 : memref<40xi32, #tpu.memory_space<vmem>>) target_semaphore(%arg21 : memref<!tpu.dma_semaphore, #tpu.memory_space<semaphore_mem>>)
      %dma_wait3A_163 = arith.constant 0 : i32
      %dma_wait3A_164 = arith.constant 0 : i32
      %dma_wait3A_165 = arith.constant 0 : i32
      %dma_wait3A_166 = tpu.memref_slice %arg5[%add3A, %dma_wait3A_163, %dma_wait3A_164, %dma_wait3A_165] : memref<32x250x40x16xf32, #tpu.memory_space<hbm>> -> memref<1x1x40x16xf32, #tpu.memory_space<hbm>>
      %dma_wait3A_167 = tpu.memref_squeeze %dma_wait3A_166 : memref<1x1x40x16xf32, #tpu.memory_space<hbm>> -> memref<40x16xf32, #tpu.memory_space<hbm>>
      %dma_wait3A_168 = arith.constant 0 : i32
      %dma_wait3A_169 = arith.constant 0 : i32
      %dma_wait3A_170 = tpu.memref_slice %arg5[%add3A, %dma_wait3A_163, %dma_wait3A_168, %dma_wait3A_169] : memref<32x250x40x16xf32, #tpu.memory_space<hbm>> -> memref<1x1x40x16xf32, #tpu.memory_space<hbm>>
      %dma_wait3A_171 = tpu.memref_squeeze %dma_wait3A_170 : memref<1x1x40x16xf32, #tpu.memory_space<hbm>> -> memref<40x16xf32, #tpu.memory_space<hbm>>
      tpu.wait_dma2 semaphore(%arg23 : memref<!tpu.dma_semaphore, #tpu.memory_space<semaphore_mem>>) src(%dma_wait3A_171 : memref<40x16xf32, #tpu.memory_space<hbm>>) dst(%arg12 : memref<40x16xf32, #tpu.memory_space<vmem>>)
      %scan3A_172 = arith.constant 0 : i32
      %scan3A_173 = arith.constant 0 : i32
      %scan3A_174 = arith.constant 40 : i32
      %scan3A_175 = arith.addi %scan3A_173, %scan3A_174 : i32
      %scan3A_176 = arith.constant 1 : i32
      scf.for %scan3A_186 = %scan3A_173 to %scan3A_175 step %scan3A_176  : i32 {
        %get3A = arith.index_cast %scan3A_186 : i32 to index
        %get3A_187 = arith.constant 0 : index
        %get3A_188 = tpu.vector_load %arg12[%get3A, %get3A_187] {strides = array<i32>} : memref<40x16xf32, #tpu.memory_space<vmem>>, vector<1x16xf32>,
        %get3A_189 = vector.shape_cast %get3A_188 : vector<1x16xf32> to vector<16xf32>
        %get3A_190 = arith.index_cast %scan3A_186 : i32 to index
        %get3A_191 = arith.constant 0 : index
        %get3A_192 = tpu.vector_load %arg14[%get3A_190, %get3A_191] {strides = array<i32>} : memref<40x128xf32, #tpu.memory_space<vmem>>, vector<1x16xf32>,
        %get3A_193 = vector.shape_cast %get3A_192 : vector<1x16xf32> to vector<16xf32>
        %mul3A_194 = arith.mulf %get3A_193, %get3A_189 : vector<16xf32>
        %swap3A = arith.index_cast %scan3A_186 : i32 to index
        %swap3A_195 = arith.constant 0 : index
        %swap3A_196 = tpu.vector_load %arg16[%swap3A, %swap3A_195] {strides = array<i32>} : memref<40x128xf32, #tpu.memory_space<vmem>>, vector<1x16xf32>,
        %swap3A_197 = vector.shape_cast %swap3A_196 : vector<1x16xf32> to vector<16xf32>
        %swap3A_198 = vector.shape_cast %mul3A_194 : vector<16xf32> to vector<1x16xf32>
        tpu.vector_store %arg16[%swap3A, %swap3A_195], %swap3A_198 {strides = array<i32>} : memref<40x128xf32, #tpu.memory_space<vmem>>, vector<1x16xf32>,
        %get3A_199 = arith.index_cast %scan3A_186 : i32 to index
        %get3A_200 = arith.constant 16 : index
        %get3A_201 = tpu.vector_load %arg14[%get3A_199, %get3A_200] {strides = array<i32>} : memref<40x128xf32, #tpu.memory_space<vmem>>, vector<1x16xf32>,
        %get3A_202 = vector.shape_cast %get3A_201 : vector<1x16xf32> to vector<16xf32>
        %mul3A_203 = arith.mulf %get3A_202, %get3A_189 : vector<16xf32>
        %swap3A_204 = arith.index_cast %scan3A_186 : i32 to index
        %swap3A_205 = arith.constant 16 : index
        %swap3A_206 = tpu.vector_load %arg16[%swap3A_204, %swap3A_205] {strides = array<i32>} : memref<40x128xf32, #tpu.memory_space<vmem>>, vector<1x16xf32>,
        %swap3A_207 = vector.shape_cast %swap3A_206 : vector<1x16xf32> to vector<16xf32>
        %swap3A_208 = vector.shape_cast %mul3A_203 : vector<16xf32> to vector<1x16xf32>
        tpu.vector_store %arg16[%swap3A_204, %swap3A_205], %swap3A_208 {strides = array<i32>} : memref<40x128xf32, #tpu.memory_space<vmem>>, vector<1x16xf32>,
        %get3A_209 = arith.index_cast %scan3A_186 : i32 to index
        %get3A_210 = arith.constant 32 : index
        %get3A_211 = tpu.vector_load %arg14[%get3A_209, %get3A_210] {strides = array<i32>} : memref<40x128xf32, #tpu.memory_space<vmem>>, vector<1x16xf32>,
        %get3A_212 = vector.shape_cast %get3A_211 : vector<1x16xf32> to vector<16xf32>
        %mul3A_213 = arith.mulf %get3A_212, %get3A_189 : vector<16xf32>
        %swap3A_214 = arith.index_cast %scan3A_186 : i32 to index
        %swap3A_215 = arith.constant 32 : index
        %swap3A_216 = tpu.vector_load %arg16[%swap3A_214, %swap3A_215] {strides = array<i32>} : memref<40x128xf32, #tpu.memory_space<vmem>>, vector<1x16xf32>,
        %swap3A_217 = vector.shape_cast %swap3A_216 : vector<1x16xf32> to vector<16xf32>
        %swap3A_218 = vector.shape_cast %mul3A_213 : vector<16xf32> to vector<1x16xf32>
        tpu.vector_store %arg16[%swap3A_214, %swap3A_215], %swap3A_218 {strides = array<i32>} : memref<40x128xf32, #tpu.memory_space<vmem>>, vector<1x16xf32>,
        %get3A_219 = arith.index_cast %scan3A_186 : i32 to index
        %get3A_220 = arith.constant 48 : index
        %get3A_221 = tpu.vector_load %arg14[%get3A_219, %get3A_220] {strides = array<i32>} : memref<40x128xf32, #tpu.memory_space<vmem>>, vector<1x16xf32>,
        %get3A_222 = vector.shape_cast %get3A_221 : vector<1x16xf32> to vector<16xf32>
        %mul3A_223 = arith.mulf %get3A_222, %get3A_189 : vector<16xf32>
        %swap3A_224 = arith.index_cast %scan3A_186 : i32 to index
        %swap3A_225 = arith.constant 48 : index
        %swap3A_226 = tpu.vector_load %arg16[%swap3A_224, %swap3A_225] {strides = array<i32>} : memref<40x128xf32, #tpu.memory_space<vmem>>, vector<1x16xf32>,
        %swap3A_227 = vector.shape_cast %swap3A_226 : vector<1x16xf32> to vector<16xf32>
        %swap3A_228 = vector.shape_cast %mul3A_223 : vector<16xf32> to vector<1x16xf32>
        tpu.vector_store %arg16[%swap3A_224, %swap3A_225], %swap3A_228 {strides = array<i32>} : memref<40x128xf32, #tpu.memory_space<vmem>>, vector<1x16xf32>,
        %get3A_229 = arith.index_cast %scan3A_186 : i32 to index
        %get3A_230 = arith.constant 64 : index
        %get3A_231 = tpu.vector_load %arg14[%get3A_229, %get3A_230] {strides = array<i32>} : memref<40x128xf32, #tpu.memory_space<vmem>>, vector<1x16xf32>,
        %get3A_232 = vector.shape_cast %get3A_231 : vector<1x16xf32> to vector<16xf32>
        %mul3A_233 = arith.mulf %get3A_232, %get3A_189 : vector<16xf32>
        %swap3A_234 = arith.index_cast %scan3A_186 : i32 to index
        %swap3A_235 = arith.constant 64 : index
        %swap3A_236 = tpu.vector_load %arg16[%swap3A_234, %swap3A_235] {strides = array<i32>} : memref<40x128xf32, #tpu.memory_space<vmem>>, vector<1x16xf32>,
        %swap3A_237 = vector.shape_cast %swap3A_236 : vector<1x16xf32> to vector<16xf32>
        %swap3A_238 = vector.shape_cast %mul3A_233 : vector<16xf32> to vector<1x16xf32>
        tpu.vector_store %arg16[%swap3A_234, %swap3A_235], %swap3A_238 {strides = array<i32>} : memref<40x128xf32, #tpu.memory_space<vmem>>, vector<1x16xf32>,
        %get3A_239 = arith.index_cast %scan3A_186 : i32 to index
        %get3A_240 = arith.constant 80 : index
        %get3A_241 = tpu.vector_load %arg14[%get3A_239, %get3A_240] {strides = array<i32>} : memref<40x128xf32, #tpu.memory_space<vmem>>, vector<1x16xf32>,
        %get3A_242 = vector.shape_cast %get3A_241 : vector<1x16xf32> to vector<16xf32>
        %mul3A_243 = arith.mulf %get3A_242, %get3A_189 : vector<16xf32>
        %swap3A_244 = arith.index_cast %scan3A_186 : i32 to index
        %swap3A_245 = arith.constant 80 : index
        %swap3A_246 = tpu.vector_load %arg16[%swap3A_244, %swap3A_245] {strides = array<i32>} : memref<40x128xf32, #tpu.memory_space<vmem>>, vector<1x16xf32>,
        %swap3A_247 = vector.shape_cast %swap3A_246 : vector<1x16xf32> to vector<16xf32>
        %swap3A_248 = vector.shape_cast %mul3A_243 : vector<16xf32> to vector<1x16xf32>
        tpu.vector_store %arg16[%swap3A_244, %swap3A_245], %swap3A_248 {strides = array<i32>} : memref<40x128xf32, #tpu.memory_space<vmem>>, vector<1x16xf32>,
        %get3A_249 = arith.index_cast %scan3A_186 : i32 to index
        %get3A_250 = arith.constant 96 : index
        %get3A_251 = tpu.vector_load %arg14[%get3A_249, %get3A_250] {strides = array<i32>} : memref<40x128xf32, #tpu.memory_space<vmem>>, vector<1x16xf32>,
        %get3A_252 = vector.shape_cast %get3A_251 : vector<1x16xf32> to vector<16xf32>
        %mul3A_253 = arith.mulf %get3A_252, %get3A_189 : vector<16xf32>
        %swap3A_254 = arith.index_cast %scan3A_186 : i32 to index
        %swap3A_255 = arith.constant 96 : index
        %swap3A_256 = tpu.vector_load %arg16[%swap3A_254, %swap3A_255] {strides = array<i32>} : memref<40x128xf32, #tpu.memory_space<vmem>>, vector<1x16xf32>,
        %swap3A_257 = vector.shape_cast %swap3A_256 : vector<1x16xf32> to vector<16xf32>
        %swap3A_258 = vector.shape_cast %mul3A_253 : vector<16xf32> to vector<1x16xf32>
        tpu.vector_store %arg16[%swap3A_254, %swap3A_255], %swap3A_258 {strides = array<i32>} : memref<40x128xf32, #tpu.memory_space<vmem>>, vector<1x16xf32>,
        %get3A_259 = arith.index_cast %scan3A_186 : i32 to index
        %get3A_260 = arith.constant 112 : index
        %get3A_261 = tpu.vector_load %arg14[%get3A_259, %get3A_260] {strides = array<i32>} : memref<40x128xf32, #tpu.memory_space<vmem>>, vector<1x16xf32>,
        %get3A_262 = vector.shape_cast %get3A_261 : vector<1x16xf32> to vector<16xf32>
        %mul3A_263 = arith.mulf %get3A_262, %get3A_189 : vector<16xf32>
        %swap3A_264 = arith.index_cast %scan3A_186 : i32 to index
        %swap3A_265 = arith.constant 112 : index
        %swap3A_266 = tpu.vector_load %arg16[%swap3A_264, %swap3A_265] {strides = array<i32>} : memref<40x128xf32, #tpu.memory_space<vmem>>, vector<1x16xf32>,
        %swap3A_267 = vector.shape_cast %swap3A_266 : vector<1x16xf32> to vector<16xf32>
        %swap3A_268 = vector.shape_cast %mul3A_263 : vector<16xf32> to vector<1x16xf32>
        tpu.vector_store %arg16[%swap3A_264, %swap3A_265], %swap3A_268 {strides = array<i32>} : memref<40x128xf32, #tpu.memory_space<vmem>>, vector<1x16xf32>,
      }
      %scan3A_177 = arith.constant 40 : i32
      %convert_element_type3A_178 = arith.extui %lt3A_146 : i1 to i32
      %cond3A_179 = arith.constant 0 : i32
      %cond3A_180 = arith.cmpi ne, %convert_element_type3A_178, %cond3A_179 : i32
      scf.if %cond3A_180 {
        %add3A_186 = arith.constant 2 : i32
        %add3A_187 = arith.addi %add3A_144, %add3A_186 : i32
        %dma_start3A_188 = arith.constant 0 : i32
        %dma_start3A_189 = arith.constant 0 : i32
        %dma_start3A_190 = tpu.memref_slice %arg5[%add3A, %add3A_187, %dma_start3A_188, %dma_start3A_189] : memref<32x250x40x16xf32, #tpu.memory_space<hbm>> -> memref<1x1x40x16xf32, #tpu.memory_space<hbm>>
        %dma_start3A_191 = tpu.memref_squeeze %dma_start3A_190 : memref<1x1x40x16xf32, #tpu.memory_space<hbm>> -> memref<40x16xf32, #tpu.memory_space<hbm>>
        %dma_start3A_192 = arith.constant 0 : i32
        %dma_start3A_193 = arith.constant 0 : i32
        %dma_start3A_194 = tpu.memref_slice %arg5[%add3A, %add3A_187, %dma_start3A_192, %dma_start3A_193] : memref<32x250x40x16xf32, #tpu.memory_space<hbm>> -> memref<1x1x40x16xf32, #tpu.memory_space<hbm>>
        %dma_start3A_195 = tpu.memref_squeeze %dma_start3A_194 : memref<1x1x40x16xf32, #tpu.memory_space<hbm>> -> memref<40x16xf32, #tpu.memory_space<hbm>>
        tpu.enqueue_dma source(%dma_start3A_195 : memref<40x16xf32, #tpu.memory_space<hbm>>) target(%arg12 : memref<40x16xf32, #tpu.memory_space<vmem>>) target_semaphore(%arg23 : memref<!tpu.dma_semaphore, #tpu.memory_space<semaphore_mem>>)
        %dma_wait3A_196 = tpu.memref_slice %arg3[%mul3A_2] : memref<320000xi32, #tpu.memory_space<hbm>> -> memref<40xi32, #tpu.memory_space<hbm>>
        %dma_wait3A_197 = tpu.memref_slice %arg3[%mul3A_2] : memref<320000xi32, #tpu.memory_space<hbm>> -> memref<40xi32, #tpu.memory_space<hbm>>
        tpu.wait_dma2 semaphore(%arg19 : memref<!tpu.dma_semaphore, #tpu.memory_space<semaphore_mem>>) src(%dma_wait3A_197 : memref<40xi32, #tpu.memory_space<hbm>>) dst(%arg8 : memref<40xi32, #tpu.memory_space<vmem>>)
        %dma_start3A_198 = arith.constant 0 : i32
        %dma_start3A_199 = arith.constant 0 : i32
        %dma_start3A_200 = tpu.memref_slice %arg2[%dma_start3A_198, %dma_start3A_199] : memref<10000x128xf32, #tpu.memory_space<hbm>> -> memref<10000x128xf32, #tpu.memory_space<hbm>>
        tpu.enqueue_indirect_dma source(%dma_start3A_200 : memref<10000x128xf32, #tpu.memory_space<hbm>>) target(%arg14 : memref<40x128xf32, #tpu.memory_space<vmem>>) offsets(%arg8 : memref<40xi32, #tpu.memory_space<vmem>>) semaphore(%arg25 : memref<!tpu.dma_semaphore, #tpu.memory_space<semaphore_mem>>)
      } else {
      }
      %dma_wait3A_181 = tpu.memref_slice %arg4[%mul3A_2] : memref<320000xi32, #tpu.memory_space<hbm>> -> memref<40xi32, #tpu.memory_space<hbm>>
      %dma_wait3A_182 = tpu.memref_slice %arg4[%mul3A_2] : memref<320000xi32, #tpu.memory_space<hbm>> -> memref<40xi32, #tpu.memory_space<hbm>>
      tpu.wait_dma2 semaphore(%arg21 : memref<!tpu.dma_semaphore, #tpu.memory_space<semaphore_mem>>) src(%dma_wait3A_182 : memref<40xi32, #tpu.memory_space<hbm>>) dst(%arg10 : memref<40xi32, #tpu.memory_space<vmem>>)
      %dma_start3A_183 = arith.constant 0 : i32
      %dma_start3A_184 = arith.constant 0 : i32
      %dma_start3A_185 = tpu.memref_slice %arg17[%dma_start3A_183, %dma_start3A_184] : memref<10000x128xf32, #tpu.memory_space<vmem_shared>> -> memref<10000x128xf32, #tpu.memory_space<vmem_shared>>
      tpu.enqueue_indirect_dma source(%arg16 : memref<40x128xf32, #tpu.memory_space<vmem>>) target(%dma_start3A_185 : memref<10000x128xf32, #tpu.memory_space<vmem_shared>>) offsets(%arg10 : memref<40xi32, #tpu.memory_space<vmem>>) semaphore(%arg27 : memref<!tpu.dma_semaphore, #tpu.memory_space<semaphore_mem>>) {add = true}
    }
    %scan3A_77 = arith.constant 125 : i32
    %dma_wait3A_78 = arith.constant 0 : i32
    %dma_wait3A_79 = arith.constant 0 : i32
    %dma_wait3A_80 = tpu.memref_slice %arg17[%dma_wait3A_78, %dma_wait3A_79] : memref<10000x128xf32, #tpu.memory_space<vmem_shared>> -> memref<10000x128xf32, #tpu.memory_space<vmem_shared>>
    tpu.wait_indirect_dma semaphore(%arg26 : memref<!tpu.dma_semaphore, #tpu.memory_space<semaphore_mem>>) src(%arg15 : memref<40x128xf32, #tpu.memory_space<vmem>>) dst(%dma_wait3A_80 : memref<10000x128xf32, #tpu.memory_space<vmem_shared>>)
    %dma_wait3A_81 = arith.constant 0 : i32
    %dma_wait3A_82 = arith.constant 0 : i32
    %dma_wait3A_83 = tpu.memref_slice %arg17[%dma_wait3A_81, %dma_wait3A_82] : memref<10000x128xf32, #tpu.memory_space<vmem_shared>> -> memref<10000x128xf32, #tpu.memory_space<vmem_shared>>
    tpu.wait_indirect_dma semaphore(%arg27 : memref<!tpu.dma_semaphore, #tpu.memory_space<semaphore_mem>>) src(%arg16 : memref<40x128xf32, #tpu.memory_space<vmem>>) dst(%dma_wait3A_83 : memref<10000x128xf32, #tpu.memory_space<vmem_shared>>)
    %barrier3A_84 = arith.constant 0 : index
    tpu.barrier barrier_id(%barrier3A_84)
    %mul3A_85 = arith.constant 10000 : i32
    %mul3A_86 = arith.muli %arg0, %mul3A_85 : i32
    %add3A_87 = arith.addi %mul3A_86, %mul3A_4 : i32
    %lt3A_88 = arith.constant 15 : i32
    %lt3A_89 = arith.cmpi slt, %arg1, %lt3A_88 : i32
    %convert_element_type3A_90 = arith.extui %lt3A_89 : i1 to i32
    %cond3A_91 = arith.constant 0 : i32
    %cond3A_92 = arith.cmpi ne, %convert_element_type3A_90, %cond3A_91 : i32
    scf.if %cond3A_92 {
      "tpu.region"() ({
        %run_scoped3A = tpu.sem_alloc : memref<!tpu.dma_semaphore, #tpu.memory_space<semaphore_mem>>
        %dma_start3A_98 = arith.constant 0 : i32
        %dma_start3A_99 = tpu.memref_slice %arg6[%add3A_87, %dma_start3A_98] : memref<20000x128xf32, #tpu.memory_space<hbm>> -> memref<624x128xf32, #tpu.memory_space<hbm>>
        %dma_start3A_100 = arith.constant 0 : i32
        %dma_start3A_101 = tpu.memref_slice %arg17[%mul3A_4, %dma_start3A_100] : memref<10000x128xf32, #tpu.memory_space<vmem_shared>> -> memref<624x128xf32, #tpu.memory_space<vmem_shared>>
        tpu.enqueue_dma source(%dma_start3A_101 : memref<624x128xf32, #tpu.memory_space<vmem_shared>>) target(%dma_start3A_99 : memref<624x128xf32, #tpu.memory_space<hbm>>) target_semaphore(%run_scoped3A : memref<!tpu.dma_semaphore, #tpu.memory_space<semaphore_mem>>)
        %dma_wait3A_102 = arith.constant 0 : i32
        %dma_wait3A_103 = tpu.memref_slice %arg6[%add3A_87, %dma_wait3A_102] : memref<20000x128xf32, #tpu.memory_space<hbm>> -> memref<624x128xf32, #tpu.memory_space<hbm>>
        %dma_wait3A_104 = arith.constant 0 : i32
        %dma_wait3A_105 = tpu.memref_slice %arg17[%mul3A_4, %dma_wait3A_104] : memref<10000x128xf32, #tpu.memory_space<vmem_shared>> -> memref<624x128xf32, #tpu.memory_space<vmem_shared>>
        tpu.wait_dma2 semaphore(%run_scoped3A : memref<!tpu.dma_semaphore, #tpu.memory_space<semaphore_mem>>) src(%dma_wait3A_105 : memref<624x128xf32, #tpu.memory_space<vmem_shared>>) dst(%dma_wait3A_103 : memref<624x128xf32, #tpu.memory_space<hbm>>)
        tpu.yield
      }) : () -> ()
    } else {
    }
    %eq3A_93 = arith.constant 15 : i32
    %eq3A_94 = arith.cmpi eq, %arg1, %eq3A_93 : i32
    %convert_element_type3A_95 = arith.extui %eq3A_94 : i1 to i32
    %cond3A_96 = arith.constant 0 : i32
    %cond3A_97 = arith.cmpi ne, %convert_element_type3A_95, %cond3A_96 : i32
    scf.if %cond3A_97 {
      "tpu.region"() ({
        %run_scoped3A = tpu.sem_alloc : memref<!tpu.dma_semaphore, #tpu.memory_space<semaphore_mem>>
        %dma_start3A_98 = arith.constant 0 : i32
        %dma_start3A_99 = tpu.memref_slice %arg6[%add3A_87, %dma_start3A_98] : memref<20000x128xf32, #tpu.memory_space<hbm>> -> memref<640x128xf32, #tpu.memory_space<hbm>>
        %dma_start3A_100 = arith.constant 0 : i32
        %dma_start3A_101 = tpu.memref_slice %arg17[%mul3A_4, %dma_start3A_100] : memref<10000x128xf32, #tpu.memory_space<vmem_shared>> -> memref<640x128xf32, #tpu.memory_space<vmem_shared>>
        tpu.enqueue_dma source(%dma_start3A_101 : memref<640x128xf32, #tpu.memory_space<vmem_shared>>) target(%dma_start3A_99 : memref<640x128xf32, #tpu.memory_space<hbm>>) target_semaphore(%run_scoped3A : memref<!tpu.dma_semaphore, #tpu.memory_space<semaphore_mem>>)
        %dma_wait3A_102 = arith.constant 0 : i32
        %dma_wait3A_103 = tpu.memref_slice %arg6[%add3A_87, %dma_wait3A_102] : memref<20000x128xf32, #tpu.memory_space<hbm>> -> memref<640x128xf32, #tpu.memory_space<hbm>>
        %dma_wait3A_104 = arith.constant 0 : i32
        %dma_wait3A_105 = tpu.memref_slice %arg17[%mul3A_4, %dma_wait3A_104] : memref<10000x128xf32, #tpu.memory_space<vmem_shared>> -> memref<640x128xf32, #tpu.memory_space<vmem_shared>>
        tpu.wait_dma2 semaphore(%run_scoped3A : memref<!tpu.dma_semaphore, #tpu.memory_space<semaphore_mem>>) src(%dma_wait3A_105 : memref<640x128xf32, #tpu.memory_space<vmem_shared>>) dst(%dma_wait3A_103 : memref<640x128xf32, #tpu.memory_space<hbm>>)
        tpu.yield
      }) : () -> ()
    } else {
    }
    return
  }
}

module attributes {stable_mosaic.version = 14 : i64} {
  func.func @body(%arg0: i32, %arg1: memref<1000x128xf32, #tpu.memory_space<vmem>>, %arg2: memref<128x256xf32, #tpu.memory_space<vmem>>, %arg3: memref<1000x128xf32, #tpu.memory_space<vmem>>, %arg4: memref<1000x128xf32, #tpu.memory_space<vmem>>) attributes {dimension_semantics = [#tpu.dimension_semantics<arbitrary>], iteration_bounds = array<i64: 10>, scalar_prefetch = 0 : i64, scratch_operands = 0 : i64, tpu.core_type = #tpu.core_type<tc>, window_params = [{transform_indices = @transform_0, window_bounds = array<i64: 1000, 128>}, {pipeline_mode = #tpu.pipeline_mode<synchronous>, transform_indices = @transform_1, window_bounds = array<i64: 128, 256>}, {transform_indices = @transform_2, window_bounds = array<i64: 1000, 128>}, {transform_indices = @transform_3, window_bounds = array<i64: 1000, 128>}]} {
    %get3A = arith.constant 0 : index
    %get3A_0 = arith.constant 0 : index
    %get3A_1 = vector.load %arg1[%get3A, %get3A_0] : memref<1000x128xf32, #tpu.memory_space<vmem>>, vector<1000x128xf32>
    %get3A_2 = arith.constant 0 : index
    %get3A_3 = arith.constant 0 : index
    %get3A_4 = vector.load %arg2[%get3A_2, %get3A_3] : memref<128x256xf32, #tpu.memory_space<vmem>>, vector<128x256xf32>
    %dot_general3A = arith.constant dense<0.000000e+00> : vector<1000x256xf32>
    %dot_general3A_5 = tpu.matmul %get3A_1, %get3A_4, %dot_general3A {dimension_numbers = #tpu.dot_dimension_numbers<[1], [0], [0], [1], [0, 0, 1, 1], [], []>, transpose_lhs_hint = false} : vector<1000x128xf32>, vector<128x256xf32>, vector<1000x256xf32> -> vector<1000x256xf32>
    %mul3A = arith.constant 0.0883883461 : f32
    %mul3A_6 = vector.broadcast %mul3A : f32 to vector<1000x256xf32>
    %mul3A_7 = arith.mulf %dot_general3A_5, %mul3A_6 : vector<1000x256xf32>
    %slice3A = vector.extract_strided_slice %mul3A_7 {offsets = [0, 0], sizes = [1000, 128], strides = [1, 1]} : vector<1000x256xf32> to vector<1000x128xf32>
    %swap3A = arith.constant 0 : index
    %swap3A_8 = arith.constant 0 : index
    %swap3A_9 = vector.load %arg3[%swap3A, %swap3A_8] : memref<1000x128xf32, #tpu.memory_space<vmem>>, vector<1000x128xf32>
    tpu.vector_store %arg3[%swap3A, %swap3A_8], %slice3A {strides = array<i32>} : memref<1000x128xf32, #tpu.memory_space<vmem>>, vector<1000x128xf32>,
    %slice3A_10 = vector.extract_strided_slice %mul3A_7 {offsets = [0, 128], sizes = [1000, 128], strides = [1, 1]} : vector<1000x256xf32> to vector<1000x128xf32>
    %swap3A_11 = arith.constant 0 : index
    %swap3A_12 = arith.constant 0 : index
    %swap3A_13 = vector.load %arg4[%swap3A_11, %swap3A_12] : memref<1000x128xf32, #tpu.memory_space<vmem>>, vector<1000x128xf32>
    tpu.vector_store %arg4[%swap3A_11, %swap3A_12], %slice3A_10 {strides = array<i32>} : memref<1000x128xf32, #tpu.memory_space<vmem>>, vector<1000x128xf32>,
    return
  }
  func.func @transform_0(%arg0: i32) -> (i32, i32) {
    %c0_i32 = arith.constant 0 : i32
    %c0_i32_0 = arith.constant 0 : i32
    return %arg0, %c0_i32 : i32, i32
  }
  func.func @transform_1(%arg0: i32) -> (i32, i32) {
    %c0_i32 = arith.constant 0 : i32
    %c0_i32_0 = arith.constant 0 : i32
    %c0_i32_1 = arith.constant 0 : i32
    return %c0_i32, %c0_i32_0 : i32, i32
  }
  func.func @transform_2(%arg0: i32) -> (i32, i32) {
    %c0_i32 = arith.constant 0 : i32
    %c0_i32_0 = arith.constant 0 : i32
    return %arg0, %c0_i32 : i32, i32
  }
  func.func @transform_3(%arg0: i32) -> (i32, i32) {
    %c0_i32 = arith.constant 0 : i32
    %c0_i32_0 = arith.constant 0 : i32
    return %arg0, %c0_i32 : i32, i32
  }
}

module attributes {stable_mosaic.version = 14 : i64} {
  func.func @body(%arg0: i32, %arg1: memref<1000x128xf32, #tpu.memory_space<vmem>>, %arg2: memref<1000x128xf32, #tpu.memory_space<vmem>>, %arg3: memref<1000x128xf32, #tpu.memory_space<vmem>>, %arg4: memref<1x128xf32, #tpu.memory_space<vmem>>, %arg5: memref<128x128xf32, #tpu.memory_space<vmem>>, %arg6: memref<1000x128xf32, #tpu.memory_space<vmem>>) attributes {dimension_semantics = [#tpu.dimension_semantics<arbitrary>], iteration_bounds = array<i64: 10>, scalar_prefetch = 0 : i64, scratch_operands = 0 : i64, tpu.core_type = #tpu.core_type<tc>, window_params = [{transform_indices = @transform_0, window_bounds = array<i64: 1000, 128>}, {transform_indices = @transform_1, window_bounds = array<i64: 1000, 128>}, {transform_indices = @transform_2, window_bounds = array<i64: 1000, 128>}, {pipeline_mode = #tpu.pipeline_mode<synchronous>, transform_indices = @transform_3, window_bounds = array<i64: 1, 128>}, {pipeline_mode = #tpu.pipeline_mode<synchronous>, transform_indices = @transform_4, window_bounds = array<i64: 128, 128>}, {transform_indices = @transform_5, window_bounds = array<i64: 1000, 128>}]} {
    %get3A = arith.constant 0 : index
    %get3A_0 = arith.constant 0 : index
    %get3A_1 = vector.load %arg1[%get3A, %get3A_0] : memref<1000x128xf32, #tpu.memory_space<vmem>>, vector<1000x128xf32>
    %get3A_2 = arith.constant 0 : index
    %get3A_3 = arith.constant 0 : index
    %get3A_4 = vector.load %arg2[%get3A_2, %get3A_3] : memref<1000x128xf32, #tpu.memory_space<vmem>>, vector<1000x128xf32>
    %add3A = arith.addf %get3A_1, %get3A_4 : vector<1000x128xf32>
    %get3A_5 = arith.constant 0 : index
    %get3A_6 = arith.constant 0 : index
    %get3A_7 = vector.load %arg4[%get3A_5, %get3A_6] : memref<1x128xf32, #tpu.memory_space<vmem>>, vector<1x128xf32>
    %mul3A = vector.broadcast %get3A_7 : vector<1x128xf32> to vector<1000x128xf32>
    %mul3A_8 = arith.mulf %add3A, %mul3A : vector<1000x128xf32>
    %get3A_9 = arith.constant 0 : index
    %get3A_10 = arith.constant 0 : index
    %get3A_11 = vector.load %arg5[%get3A_9, %get3A_10] : memref<128x128xf32, #tpu.memory_space<vmem>>, vector<128x128xf32>
    %dot_general3A = arith.constant dense<0.000000e+00> : vector<1000x128xf32>
    %dot_general3A_12 = tpu.matmul %mul3A_8, %get3A_11, %dot_general3A {dimension_numbers = #tpu.dot_dimension_numbers<[1], [0], [0], [1], [0, 0, 1, 1], [], []>, transpose_lhs_hint = false} : vector<1000x128xf32>, vector<128x128xf32>, vector<1000x128xf32> -> vector<1000x128xf32>
    %get3A_13 = arith.constant 0 : index
    %get3A_14 = arith.constant 0 : index
    %get3A_15 = vector.load %arg3[%get3A_13, %get3A_14] : memref<1000x128xf32, #tpu.memory_space<vmem>>, vector<1000x128xf32>
    %mul3A_16 = arith.constant 0.923879504 : f32
    %mul3A_17 = vector.broadcast %mul3A_16 : f32 to vector<1000x128xf32>
    %mul3A_18 = arith.mulf %mul3A_17, %get3A_15 : vector<1000x128xf32>
    %mul3A_19 = arith.constant 0.00597942853 : f32
    %mul3A_20 = vector.broadcast %mul3A_19 : f32 to vector<1000x128xf32>
    %mul3A_21 = arith.mulf %mul3A_20, %dot_general3A_12 : vector<1000x128xf32>
    %add3A_22 = arith.addf %mul3A_18, %mul3A_21 : vector<1000x128xf32>
    %swap3A = arith.constant 0 : index
    %swap3A_23 = arith.constant 0 : index
    %swap3A_24 = vector.load %arg6[%swap3A, %swap3A_23] : memref<1000x128xf32, #tpu.memory_space<vmem>>, vector<1000x128xf32>
    tpu.vector_store %arg6[%swap3A, %swap3A_23], %add3A_22 {strides = array<i32>} : memref<1000x128xf32, #tpu.memory_space<vmem>>, vector<1000x128xf32>,
    return
  }
  func.func @transform_0(%arg0: i32) -> (i32, i32) {
    %c0_i32 = arith.constant 0 : i32
    %c0_i32_0 = arith.constant 0 : i32
    return %arg0, %c0_i32 : i32, i32
  }
  func.func @transform_1(%arg0: i32) -> (i32, i32) {
    %add3A = arith.constant 10 : i32
    %add3A_0 = arith.addi %arg0, %add3A : i32
    %c0_i32 = arith.constant 0 : i32
    %c0_i32_1 = arith.constant 0 : i32
    return %add3A_0, %c0_i32 : i32, i32
  }
  func.func @transform_2(%arg0: i32) -> (i32, i32) {
    %c0_i32 = arith.constant 0 : i32
    %c0_i32_0 = arith.constant 0 : i32
    return %arg0, %c0_i32 : i32, i32
  }
  func.func @transform_3(%arg0: i32) -> (i32, i32) {
    %c0_i32 = arith.constant 0 : i32
    %c0_i32_0 = arith.constant 0 : i32
    %c0_i32_1 = arith.constant 0 : i32
    return %c0_i32, %c0_i32_0 : i32, i32
  }
  func.func @transform_4(%arg0: i32) -> (i32, i32) {
    %c0_i32 = arith.constant 0 : i32
    %c0_i32_0 = arith.constant 0 : i32
    %c0_i32_1 = arith.constant 0 : i32
    return %c0_i32, %c0_i32_0 : i32, i32
  }
  func.func @transform_5(%arg0: i32) -> (i32, i32) {
    %c0_i32 = arith.constant 0 : i32
    %c0_i32_0 = arith.constant 0 : i32
    return %arg0, %c0_i32 : i32, i32
  }
}

</mosaic_0001>

<sc_bundles>
// kernel: kernel.5.cloned.1.call-start
scs
__scs_entry_jumppad:
0x0: {  	(pc) =	sbr.rel $0x88, $3  }
0x1: {  	(tag) =	ssettag $0x0;
	lr =	simm.s32 $0x1  }
0x2: {  	[smem:$0x3F9A] =	sst lr;
	_ =	strace $0xD0000000  }
0x3: {  	_ = 	snop  }
0x4: {  	_ = 	snop  }
0x5: {  	_ = 	snop  }
0x6: {  	_ = 	snop  }
0x7: {  	_ = 	snop  }
__scs_overlays_trampoline_lowered:
0x8: {  	[smem:$0x3FA9] =	sst s0  }
0x9: {  	[smem:$0x3FAA] =	sst s1  }
0xa: {  	[smem:$0x3FAB] =	sst s2  }
0xb: {  	[smem:$0x3FAC] =	sst s3  }
0xc: {  	[smem:$0x3FAD] =	sst s4  }
0xd: {  	[smem:$0x3FAE] =	sst s5  }
0xe: {  	[smem:$0x3FAF] =	sst s6  }
0xf: {  	[smem:$0x3FB0] =	sst s7  }
0x10: {  	[smem:$0x3FB1] =	sst s8  }
0x11: {  	[smem:$0x3FB2] =	sst s9;
	s0 =	simm.s32 @!p0 $0x0  }
0x12: {  	s1 =	sld [smem:$0x3F98];
	s0 =	simm.s32 @p0 $0x1  }
0x13: {  	[smem:$0x3FB3] =	sst s0;
	s0 =	simm.s32 @!p1 $0x0  }
0x14: {  	s2 =	sld [smem:$0x3F97];
	s0 =	simm.s32 @p1 $0x1  }
0x15: {  	[smem:$0x3FB4] =	sst s0;
	s0 =	simm.s32 @!p2 $0x0  }
0x16: {  	s3 =	sld [smem:$0x3FDB];
	s0 =	simm.s32 @p2 $0x1  }
0x17: {  	s4 =	simm.s32 $0x1BF5;
	[smem:$0x3FB6] =	sst s0  }
0x18: {  	s0 =	sld [smem:$0x3F99];
	_ =	swait.ge [sflag:s4], $0x0  }
0x19: {  	s7 =	sld [smem:$0x3F9A]  }
0x1a: {  	s8 =	sadd.s32 $0xFFFFE003, lr  }
0x1b: {  	s9 =	sadd.s32 $0xFFFFFEF7, lr;
	s5 =	simm.s32 $0xFFFFFFFF;
	p2 =	slt.u32 s8, $0xFFFFF086  }
0x1c: {  	p1 =	slt.u32 s9, $0xF7A;
	s5 =	simm.s32 @!p2 $0x0  }
0x1d: {  	s5 =	simm.s32 @p1 $0x1;
	p0 =	seq.s32 s7, s2  }
0x1e: {  	s7 =	smul.u32 @!p0 $0xF7A, s2;
	p2 =	seq.s32 @!p0 s5, $0x0  }
0x1f: {  	s9 =	smul.u32 $0xF7A, s1;
	s8 =	simm.s32 @!p0 $0x1BF5;
	p2 =	por !p2, p0  }
0x20: {  	[sflag:s8] =	ssyncset.s32 @!p0 $0xFFFFF086;
	s6 =	sadd.s32 @!p0 s3, s7;
	s7 =	simm.s32 @!p0 $0x108  }
0x21: {  	s3 =	sadd.s32 s3, s9;
	s6 =	sadd.s32 @!p0 $0x88, s6;
	s7 =	simm.s32 @p2 $0x1082  }
0x22: {  	[simem:s7], [sflag:s8] =	dma.local @!p0 [hbm:s6], $0xF7A  }
0x23: {  	s9 =	sor.u32 $0xD0000000, s2;
	s6 =	simm.s32 $0x108;
	_ =	swait.ge @!p0 [sflag:s8], $0x0  }
0x24: {  	s3 =	sadd.s32 $0x88, s3;
	s6 =	simm.s32 @!p1 $0x1082;
	[sflag:s4] =	ssyncset.s32 $0xFFFFF086  }
0x25: {  	[simem:s6], [sflag:s4] =	dma.local [hbm:s3], $0xF7A  }
0x26: {  	[smem:$0x3F9A] =	sst s1;
	(tag) =	ssettag s2;
	_ =	strace s9  }
0x27: {  	s1 =	sld [smem:$0x3FAA]  }
0x28: {  	s2 =	sld [smem:$0x3FAB]  }
0x29: {  	s4 =	sld [smem:$0x3FAD]  }
0x2a: {  	p0 =	seq.s32 s5, $0x0;
	s5 =	sld [smem:$0x3FAE]  }
0x2b: {  	s6 =	sld [smem:$0x3FAF]  }
0x2c: {  	s7 =	sld [smem:$0x3FB0]  }
0x2d: {  	s3 =	simm.s32 $0x108;
	s8 =	sld [smem:$0x3FB1]  }
0x2e: {  	s3 =	simm.s32 @!p0 $0x1082;
	s9 =	sld [smem:$0x3FB2]  }
0x2f: {  	lr =	sadd.s32 s0, s3;
	s0 =	sld [smem:$0x3FA9]  }
0x30: {  	s3 =	sld [smem:$0x3FAC]  }
0x31: {  	[smem:$0x3FB5] =	sst s10  }
0x32: {  	s10 =	sld [smem:$0x3FB3];
	_ =	sdelay $0x3  }
0x33: {  	p0 =	seq.s32 s10, $0x1;
	s10 =	sld [smem:$0x3FB5];
	_ =	sdelay $0x3  }
0x34: {  	[smem:$0x3FB5] =	sst s10  }
0x35: {  	s10 =	sld [smem:$0x3FB4];
	_ =	sdelay $0x3  }
0x36: {  	p1 =	seq.s32 s10, $0x1;
	s10 =	sld [smem:$0x3FB5];
	_ =	sdelay $0x3  }
0x37: {  	[smem:$0x3FB5] =	sst s10  }
0x38: {  	s10 =	sld [smem:$0x3FB6]  }
0x39: {  	_ = 	snop;
	(pc) =	sbr.ind lr, $3  }
0x3a: {  	_ = 	snop  }
0x3b: {  	_ = 	snop  }
0x3c: {  	p2 =	seq.s32 s10, $0x1;
	s10 =	sld [smem:$0x3FB5]  }
0x3d: {  	_ =	shalt  }
0x3e: {  	_ =	shalt  }
0x3f: {  	_ =	shalt  }
0x40: {  	_ =	shalt  }
0x41: {  	_ =	shalt  }
0x42: {  	_ =	shalt  }
0x43: {  	_ =	shalt  }
0x44: {  	_ =	shalt  }
0x45: {  	_ =	shalt  }
0x46: {  	_ =	shalt  }
0x47: {  	_ =	shalt  }
0x48: {  	_ =	shalt  }
0x49: {  	_ =	shalt  }
0x4a: {  	_ =	shalt  }
0x4b: {  	_ =	shalt  }
0x4c: {  	_ =	shalt  }
0x4d: {  	_ =	shalt  }
0x4e: {  	_ =	shalt  }
0x4f: {  	_ =	shalt  }
0x50: {  	_ =	shalt  }
0x51: {  	_ =	shalt  }
0x52: {  	_ =	shalt  }
0x53: {  	_ =	shalt  }
0x54: {  	_ =	shalt  }
0x55: {  	_ =	shalt  }
0x56: {  	_ =	shalt  }
0x57: {  	_ =	shalt  }
0x58: {  	_ =	shalt  }
0x59: {  	_ =	shalt  }
0x5a: {  	_ =	shalt  }
0x5b: {  	_ =	shalt  }
0x5c: {  	_ =	shalt  }
0x5d: {  	_ =	shalt  }
0x5e: {  	_ =	shalt  }
0x5f: {  	_ =	shalt  }
0x60: {  	_ =	shalt  }
0x61: {  	_ =	shalt  }
0x62: {  	_ =	shalt  }
0x63: {  	_ =	shalt  }
0x64: {  	_ =	shalt  }
0x65: {  	_ =	shalt  }
0x66: {  	_ =	shalt  }
0x67: {  	_ =	shalt  }
0x68: {  	_ =	shalt  }
0x69: {  	_ =	shalt  }
0x6a: {  	_ =	shalt  }
0x6b: {  	_ =	shalt  }
0x6c: {  	_ =	shalt  }
0x6d: {  	_ =	shalt  }
0x6e: {  	_ =	shalt  }
0x6f: {  	_ =	shalt  }
0x70: {  	_ =	shalt  }
0x71: {  	_ =	shalt  }
0x72: {  	_ =	shalt  }
0x73: {  	_ =	shalt  }
0x74: {  	_ =	shalt  }
0x75: {  	_ =	shalt  }
0x76: {  	_ =	shalt  }
0x77: {  	_ =	shalt  }
0x78: {  	_ =	shalt  }
0x79: {  	_ =	shalt  }
0x7a: {  	_ =	shalt  }
0x7b: {  	_ =	shalt  }
0x7c: {  	_ =	shalt  }
0x7d: {  	_ =	shalt  }
0x7e: {  	_ =	shalt  }
0x7f: {  	_ =	shalt  }
0x80: {  	_ =	shalt  }
0x81: {  	_ =	shalt  }
0x82: {  	_ =	shalt  }
0x83: {  	_ =	shalt  }
0x84: {  	_ =	shalt  }
0x85: {  	_ =	shalt  }
0x86: {  	_ =	shalt  }
0x87: {  	_ =	shalt  }
.Lfunc_end0:
.L_simem_size_0:
called_computation_lowered:
.L_overlay_start_0:
0x88: {  	s2 =	sld [smem:$0x3FD9]  }
0x89: {  	s3 =	sld [smem:$0x3FFE];
	_ =	sdelay $0x1  }
0x8a: {  	s1 =	srdreg.scid  }
0x8b: {  	s0 =	sand.u32 $0x1, s1  }
0x8c: {  	s17 =	sshll.u32 s0, $0xA;
	s2 =	sadd.s32 s3, s2  }
0x8d: {  	s2 =	sadd.s32 s2, s17  }
0x8e: {  	[smem:$0x3FC1] =	sst s2  }
0x8f: {  	_ = 	snop  }
0x90: {  	s2 =	sld [smem:$0x3FC8]  }
0x91: {  	s18 =	sld [smem:$0x3FC7]  }
0x92: {  	s4 =	sld [smem:$0x3FD0];
	(tm) =	ssettm $0x1  }
0x93: {  	s5 =	sld [smem:$0x3FFB];
	_ =	sdelay $0x3  }
0x94: {  	_ =	strace s5  }
0x95: {  	s5 =	sld [smem:$0x3FFC];
	_ =	sdelay $0x3  }
0x96: {  	_ =	strace s5  }
0x97: {  	s5 =	sld [smem:$0x3FFD];
	_ =	sdelay $0x3  }
0x98: {  	_ =	strace s5  }
0x99: {  	_ =	strace $0x8FFFFFFF  }
0x9a: {  	s19 =	sld [smem:$0x3FDB];
	_ =	sdelay $0x1  }
0x9b: {  	s6 =	simm.s32 $_scs_section_size  }
0x9c: {  	s7 =	simm.s32 $_size__tile_overlayer_lowered;
	s8 =	simm.s32 $_tile_overlayer_lowered  }
0x9d: {  	s22 =	simm.s32 $0x1BFF;
	s21 =	sshll.u32 s8, $0x1;
	s5 =	sadd.s32 s6, s19  }
0x9e: {  	s9 =	simm.s32 $0x0;
	s20 =	sshll.u32 s7, $0x1;
	s7 =	sadd.s32 s21, s5  }
0x9f: {  	[timem:s9], [sflag:s22] =	dma.local [hbm:s7], s20  }
0xa0: {  	_ =	swait.ge [sflag:s22], s20  }
0xa1: {  	s6 =	ssub.s32 $0x0, s20;
	[sflag:s22] =	ssyncset.done $0x0  }
0xa2: {  	[sflag:s22] =	ssyncadd.s32 s6;
	_ =	sdelay $0x1  }
0xa3: {  	s23 =	simm.s32 $0x1B8B  }
0xa4: {  	_ =	swait.ge [sflag:s23], $0x1  }
0xa5: {  	[sflag:s23] =	ssyncset.done $0x0  }
0xa6: {  	s25 =	simm.s32 $0x1B8E;
	s24 =	sld [smem:$0x3FFE];
	[sflag:s23] =	ssyncadd.s32 $0xFFFFFFFF  }
0xa7: {  	s26 =	simm.s32 $execute0_lowered;
	[smem:$0x3FD2] =	sst s25  }
0xa8: {  	s7 =	sshll.u32 s26, $0x1;
	_ =	strace $0x80000046;
	[dreg:$0x1] =	wrdreg $0xFFFFFFFF  }
0xa9: {  	s28 =	simm.s32 $_size_execute0_lowered;
	s5 =	sadd.s32 s5, s7;
	[dreg:$0x0] =	wrdreg $0x0  }
0xaa: {  	s7 =	sshll.u32 s28, $0x1;
	[dreg:$0x2] =	wrdreg s5  }
0xab: {  	[dreg:$0x3] =	wrdreg s7  }
0xac: {  	[dreg:$0x4] =	wrdreg $0xC0  }
0xad: {  	_ =	task [dreg:s9], $0x5FFFF  }
0xae: {  	[dreg:$0x1] =	wrdreg $0xFFFFFFFF  }
0xaf: {  	[dreg:$0x0] =	wrdreg $0x60  }
0xb0: {  	[dreg:$0x2] =	wrdreg s4  }
0xb1: {  	[dreg:$0x3] =	wrdreg s2  }
0xb2: {  	[dreg:$0x4] =	wrdreg s18  }
0xb3: {  	[dreg:$0x5] =	wrdreg s24  }
0xb4: {  	[dreg:$0x6] =	wrdreg $0x7A000  }
0xb5: {  	[dreg:$0x7] =	wrdreg $0x9  }
0xb6: {  	_ =	task.clear_ibuf [dreg:s9], $0x8FFFF;
	_ =	strace $0x90000046  }
0xb7: {  	s29 =	simm.s32 $0x9;
	_ =	strace $0x80000048  }
0xb8: {  	_ =	swait.ge [sflag:s29], $0x1  }
0xb9: {  	[sflag:s29] =	ssyncadd.s32 $0xFFFFFFFF  }
0xba: {  	_ =	strace $0x90000048  }
0xbb: {  	_ =	sfence  }
0xbc: {  	s30 =	sld [smem:$0x0];
	_ =	sdelay $0x2  }
0xbd: {  	s31 =	sshll.u32 s1, $0xD;
	s1 =	sshrl.u32 s1, $0x2  }
0xbe: {  	s3 =	sand.u32 $0x4000, s31;
	s1 =	sadd.s32 s1, s30  }
0xbf: {  	s0 =	sor.u32 s3, s0;
	s1 =	sshll.u32 s1, $0x11  }
0xc0: {  	s0 =	sor.u32 s1, s0  }
0xc1: {  	s0 =	sadd.s32 $0x8F2B, s0  }
0xc2: {  	[sflag:s0] =	ssyncadd.remote.s32 $0x1  }
0xc3: {  	_ =	sfence.sel $0xFFFF  }
0xc4: {  	[dreg:$0x0] =	wrdreg $0xFFFFFFFF;
	(pc) =	sbr.abs _section_cstart, $3  }
0xc5: {  	[dreg:$0x1] =	wrdreg $0xFFFFFFFF  }
0xc6: {  	_ =	task.clear_ibuf [dreg:s9], $0x2FFFF;
	_ =	strace $0x9FFFFFFF  }
0xc7: {  	(tm) =	ssettm $0x7FFFFFFF  }
tec
execute0_lowered:
.L_overlay_start_1:
0x0: {  	(tag) =	ssettag $0x1  }
0x1: {  	s0 =	rddreg [dreg:$0x0]  }
0x2: {  	s2 =	rddreg [dreg:$0x1]  }
0x3: {  	s3 =	rddreg [dreg:$0x2]  }
0x4: {  	s1 =	rddreg [dreg:$0x3];
	s4 =	srdreg.scid  }
0x5: {  	s12 =	stileid.u32;
	s5 =	rddreg [dreg:$0x4];
	s6 =	simm.s32 $0x0  }
0x6: {  	s31 =	simm.s32 $0x28;
	s29 =	simm.s32 $0x100;
	s7 =	smul.u32 $0x270, s12  }
0x7: {  	s16 =	simm.s32 $0x6600;
	s4 =	sand.u32 $0x1, s4;
	s11 =	smul.u32 $0x4E000, s12  }
0x8: {  	[smem:$0x7FF] =	sst s6;
	p0 =	seq.s32 s12, $0xF;
	s8 =	smul.u32 $0x2710, s4  }
0x9: {  	_ =	strace $0x80000047;
	s9 =	ssub.s32 $0x2, s4;
	s4 =	sshll.u32 s4, $0x4  }
0xa: {  	s10 =	sshrl.u32 s9, $0x1;
	s4 =	sor.u32 s12, s4;
	s23 =	sshrl.u32 s11, $0x2  }
0xb: {  	s8 =	sadd.s32 s7, s8;
	s7 =	sadd.s32 $0x28400, s1;
	s13 =	ssub.s32 s9, s10  }
0xc: {  	s9 =	simm.s32 $0x10;
	s10 =	sadd.s32 s23, s5;
	s23 =	simm.s32 $0x5200  }
0xd: {  	s8 =	sshll.u32 s8, $0x4;
	s9 =	simm.s32 @!p0 $0xF;
	s24 =	sadd.s32 $0x12C00, s10  }
0xe: {  	s30 =	smax.u32 s13, $0x1;
	s1 =	sadd.s32 s8, s1;
	s8 =	smul.u32 $0x2710, s4  }
0xf: {  	s13 =	simm.s32 $0x6;
	s4 =	smul.u32 $0x138800, s4;
	[dreg:$0x6] =	wrdreg s24  }
0x10: {  	[dreg:$0xc] =	wrdreg s30;
	s24 =	simm.s32 $0x9;
	s1 =	sadd.s32 $0x50A400, s1  }
0x11: {  	s12 =	sadd.s32 $0x28, s8;
	s25 =	sshrl.u32 s8, $0x3;
	s15 =	sshrl.u32 s4, $0x3  }
0x12: {  	s17 =	sadd.s32 $0x50, s8;
	s18 =	sadd.s32 $0x2800, s4;
	s19 =	sadd.s32 $0x78, s8  }
0x13: {  	s20 =	sadd.s32 $0x3C00, s4;
	[dreg:$0xb] =	wrdreg s1;
	s11 =	sadd.s32 s2, s25  }
0x14: {  	s1 =	sadd.s32 $0x124800, s5;
	s28 =	sadd.s32 s7, s15;
	[dreg:$0x7] =	wrdreg s11  }
0x15: {  	s14 =	sshrl.u32 s12, $0x3;
	s1 =	sshrl.u32 @p0 s1, $0x3;
	[dreg:$0x9] =	wrdreg s28  }
0x16: {  	s4 =	simm.s32 $0x7;
	s26 =	sadd.s32 s2, s14;
	[dreg:$0xd] =	wrdreg s1  }
0x17: {  	s11 =	sadd.s32 $0x280, s28;
	s1 =	simm.s32 $0x5;
	[dreg:$0x8] =	wrdreg s26  }
0x18: {  	v0 =	vimm.f32 $0.0e+00;
	s14 =	simm.s32 $0x4;
	[dreg:$0xa] =	wrdreg s11;
	s11 =	simm.s32 $0x180  }
.LBB2_1:
0x19: {  	s15 =	simm.s32 $0x0;
	s22 =	simm.s32 $0x200  }
.LBB2_2:
0x1a: {  	p1 =	sne.s32 s22, $0x4E00;
	[tilespmem:s15+$0x5270] =	vst v0  }
0x1b: {  	[tilespmem:s15+$0x5200] =	vst v0  }
0x1c: {  	[tilespmem:s15+$0x5210] =	vst v0  }
.Ltmp0:
0x1d: {  	[tilespmem:s15+$0x5220] =	vst v0;
	(pc) =	sbr.rel @p1 .LBB2_2-.Ltmp0, $4  }
0x1e: {  	[tilespmem:s15+$0x5230] =	vst v0  }
0x1f: {  	[tilespmem:s15+$0x5240] =	vst v0  }
0x20: {  	[tilespmem:s15+$0x5250] =	vst v0  }
0x21: {  	[tilespmem:s15+$0x5260] =	vst v0;
	s15 =	sshra.s32 s22, $0x2;
	s22 =	sadd.s32 $0x200, s22  }
0x22: {  	[tilespmem:s15+$0x5270] =	vst v0  }
0x23: {  	[tilespmem:s15+$0x5200] =	vst v0  }
0x24: {  	[tilespmem:s15+$0x5210] =	vst v0  }
0x25: {  	[tilespmem:s15+$0x5220] =	vst v0;
	p1 =	sne.s32 s9, $0x1  }
.Ltmp1:
0x26: {  	[tilespmem:s15+$0x5230] =	vst v0;
	(pc) =	sbr.rel @!p1 .LBB2_5-.Ltmp1, $4  }
0x27: {  	[tilespmem:s15+$0x5240] =	vst v0  }
0x28: {  	[tilespmem:s15+$0x5250] =	vst v0  }
0x29: {  	[tilespmem:s15+$0x5260] =	vst v0;
	s15 =	sadd.s32 $0xFFFFFFFF, s9;
	s22 =	smov.u32 s10  }
0x2a: {  	[spmem:s10] =	stream.linear.scatter [tilespmem:s23], [sflag:$0x9], $0x1400, $0x38;
	[tilespmem:$0x1B280] =	vst v63  }
.LBB2_4:
0x2b: {  	p2 =	sne.s32 s15, $0x1  }
.Ltmp2:
0x2c: {  	_ = 	snop;
	(pc) =	sbr.rel @p2 .LBB2_4-.Ltmp2, $3  }
0x2d: {  	_ = 	snop  }
0x2e: {  	s15 =	sadd.s32 $0xFFFFFFFF, s15;
	s22 =	sadd.s32 $0x1400, s22;
	_ =	sdelay $0x1  }
0x2f: {  	[spmem:s22] =	stream.linear.scatter [tilespmem:s23], [sflag:$0x9], $0x1400, $0x38;
	[tilespmem:$0x1B280] =	vst v63  }
.LBB2_5:
.Ltmp3:
0x30: {  	(pc) =	sbr.rel @!p1 .LBB2_7-.Ltmp3, $4  }
0x31: {  	s15 =	simm.s32 @!p0 $0x5200;
	s21 =	rddreg [dreg:$0x6]  }
0x32: {  	[spmem:s21] =	stream.linear.scatter @!p0 [tilespmem:s15], [sflag:$0x9], $0xC00, $0x38;
	[tilespmem:$0x1B280] =	vst v63  }
0x33: {  	_ =	swait.ge [sflag:s24], $0x1400  }
0x34: {  	s15 =	sadd.s32 $0xFFFFFFFF, s9;
	[sflag:s24] =	ssyncset.done $0x0  }
.LBB2_6:
0x35: {  	p1 =	sne.s32 s15, $0x1;
	s15 =	sadd.s32 $0xFFFFFFFF, s15;
	[sflag:s24] =	ssyncadd.s32 $0xFFFFEC00  }
.Ltmp4:
0x36: {  	(pc) =	sbr.rel @p1 .LBB2_6-.Ltmp4, $3  }
0x37: {  	_ =	sdelay $0x1  }
0x38: {  	_ =	swait.ge [sflag:s24], $0x1400  }
0x39: {  	[sflag:s24] =	ssyncset.done $0x0  }
.LBB2_7:
0x3a: {  	[sflag:s24] =	ssyncadd.s32 $0xFFFFEC00;
	s15 =	simm.s32 @!p0 $0x9  }
0x3b: {  	_ =	swait.ge @!p0 [sflag:s15], $0xC00  }
0x3c: {  	[sflag:s15] =	ssyncset.done @!p0 $0x0  }
0x3d: {  	[sflag:s15] =	ssyncadd.s32 @!p0 $0xFFFFF400  }
0x3e: {  	[bflag:$0x0] =	sbarrier.arrive $0xFFFF  }
0x3f: {  	s22 =	simm.s32 $0x0;
	s21 =	rddreg [dreg:$0x7]  }
0x40: {  	[tilespmem:s22], [sflag:$0x1] =	stream.linear.gather [hbm4b:s21+s22], $0x28, $0x38;
	[tilespmem:$0x1B280] =	vst v63  }
0x41: {  	s25 =	rddreg [dreg:$0x8];
	s21 =	simm.s32 $0x80  }
0x42: {  	[tilespmem:s21], [sflag:$0x2] =	stream.linear.gather [hbm4b:s25+s22], $0x28, $0x38;
	[tilespmem:$0x1B280] =	vst v63  }
0x43: {  	s26 =	rddreg [dreg:$0x9];
	s25 =	simm.s32 $0x200  }
0x44: {  	[tilespmem:s25], [sflag:$0x5] =	stream.linear.gather [hbm4b:s26+s22], $0x1400, $0x38;
	[tilespmem:$0x1B280] =	vst v63  }
0x45: {  	s30 =	simm.s32 $0x1600;
	s28 =	rddreg [dreg:$0xa];
	s25 =	simm.s32 $0x1  }
0x46: {  	[tilespmem:s30], [sflag:$0x6] =	stream.linear.gather [hbm4b:s28+s22], $0x1400, $0x38;
	[tilespmem:$0x1B280] =	vst v63  }
0x47: {  	_ =	swait.ge [sflag:s25], $0x28  }
0x48: {  	[sflag:s25] =	ssyncset.done $0x0  }
0x49: {  	s26 =	simm.s32 $0x2A00;
	s28 =	simm.s32 $0x2;
	[sflag:s25] =	ssyncadd.s32 $0xFFFFFFD8  }
0x4a: {  	[tilespmem:s26], [sflag:$0x7] =	stream.indirect.gather [hbm4b:s0+s31], $0x80, s22, s31, $0xb8;
	[tilespmem:$0x1B280] =	vst v63  }
0x4b: {  	_ =	swait.ge [sflag:s28], $0x28  }
0x4c: {  	[sflag:s28] =	ssyncset.done $0x0  }
0x4d: {  	s30 =	simm.s32 $0x3E00;
	[sflag:s28] =	ssyncadd.s32 $0xFFFFFFD8  }
0x4e: {  	[tilespmem:s30], [sflag:$0x8] =	stream.indirect.gather [hbm4b:s0+s31], $0x80, s21, s31, $0xb8;
	[tilespmem:$0x1B280] =	vst v63  }
.LBB2_8:
0x4f: {  	p1 =	seq.s32 s22, $0x7C  }
0x50: {  	p2 =	seq.s32 @!p1 s22, $0x0  }
0x51: {  	s15 =	smul.u32 @!p1 $0x50, s22;
	p2 =	por p1, !p2  }
.Ltmp5:
0x52: {  	_ = 	snop;
	(pc) =	sbr.rel @!p2 .LBB2_9-.Ltmp5, $4  }
0x53: {  	_ =	swait.ge [sflag:s4], $0x1400;
	s25 =	sadd.s32 @!p1 s15, s17  }
0x54: {  	[sflag:s4] =	ssyncset.done $0x0;
	s25 =	sshrl.u32 @!p1 s25, $0x3  }
0x55: {  	[sflag:s4] =	ssyncadd.s32 $0xFFFFEC00;
	s28 =	sadd.s32 @!p1 s2, s25;
	s25 =	simm.s32 @!p1 $0x0  }
0x56: {  	[tilespmem:s25], [sflag:$0x1] =	stream.linear.gather @!p1 [hbm4b:s28+s25], $0x28, $0x38;
	[tilespmem:$0x1B280] =	vst v63  }
.Ltmp6:
0x57: {  	(pc) =	sbr.rel .LBB2_11-.Ltmp6, $4  }
0x58: {  	_ = 	snop  }
0x59: {  	_ =	swait.ge [sflag:s24], $0x1400  }
0x5a: {  	s15 =	simm.s32 @p1 $0x26C0;
	[sflag:s24] =	ssyncset.done $0x0  }
0x5b: {  	p2 =	por $0x0, $0x0;
	s25 =	smov.u32 s15;
	[sflag:s24] =	ssyncadd.s32 $0xFFFFEC00  }
.LBB2_9:
0x5c: {  	p2 =	por @!p1 $0x1, $0x1  }
.LBB2_11:
0x5d: {  	s15 =	sadd.s32 s8, s25  }
0x5e: {  	s15 =	sshrl.u32 s15, $0x3  }
0x5f: {  	s28 =	simm.s32 $0x0;
	s15 =	sadd.s32 s3, s15  }
0x60: {  	[tilespmem:s29], [sflag:$0x3] =	stream.linear.gather [hbm4b:s15+s28], $0x28, $0x38;
	[tilespmem:$0x1B280] =	vst v63  }
0x61: {  	_ =	swait.ge [sflag:s1], $0x1400  }
0x62: {  	[sflag:s1] =	ssyncset.done $0x0  }
0x63: {  	s30 =	simm.s32 $0x0;
	[sflag:s1] =	ssyncadd.s32 $0xFFFFEC00  }
0x64: {  	v1 =	vld [tilespmem:s30+$0x200]  }
0x65: {  	v2 =	vld [tilespmem:s30+$0x2A70]  }
0x66: {  	v7 =	vld [tilespmem:s30+$0x2A00]  }
0x67: {  	v8 =	vld [tilespmem:s30+$0x2A10]  }
0x68: {  	v9 =	vld [tilespmem:s30+$0x2A20]  }
0x69: {  	v6 =	vld [tilespmem:s30+$0x2A30]  }
0x6a: {  	v4 =	vld [tilespmem:s30+$0x2A40];
	v2 =	vmul.f32 v2, v1  }
0x6b: {  	v5 =	vld [tilespmem:s30+$0x2A50];
	v10 =	vmul.f32 v7, v1  }
0x6c: {  	s15 =	simm.s32 $0x80;
	v3 =	vld [tilespmem:s30+$0x2A60];
	v7 =	vmul.f32 v8, v1;
	[tilespmem:s30+$0x5270] =	vst v2  }
0x6d: {  	s28 =	simm.s32 $0x400;
	v8 =	vmul.f32 v9, v1;
	v2 =	vld [tilespmem:s15+$0x200];
	[tilespmem:s30+$0x5200] =	vst v10  }
.LBB2_12:
0x6e: {  	p3 =	sne.s32 s28, $0x4E00;
	v9 =	vld [tilespmem:s15+$0x2A70];
	[tilespmem:s30+$0x5210] =	vst v7;
	v6 =	vmul.f32 v6, v1  }
0x6f: {  	v7 =	vld [tilespmem:s15+$0x2A00];
	[tilespmem:s30+$0x5220] =	vst v8;
	v4 =	vmul.f32 v4, v1  }
0x70: {  	v8 =	vld [tilespmem:s15+$0x2A10];
	[tilespmem:s30+$0x5230] =	vst v6;
	v5 =	vmul.f32 v5, v1  }
0x71: {  	v10 =	vld [tilespmem:s15+$0x2A20];
	[tilespmem:s30+$0x5240] =	vst v4;
	v3 =	vmul.f32 v3, v1  }
.Ltmp7:
0x72: {  	v6 =	vld [tilespmem:s15+$0x2A30];
	[tilespmem:s30+$0x5250] =	vst v5;
	v1 =	vmov v2;
	(pc) =	sbr.rel @p3 .LBB2_12-.Ltmp7, $4  }
0x73: {  	v4 =	vld [tilespmem:s15+$0x2A40];
	v2 =	vmul.f32 v9, v1;
	[tilespmem:s30+$0x5260] =	vst v3;
	s30 =	smov.u32 s15  }
0x74: {  	v9 =	vmul.f32 v7, v1;
	v5 =	vld [tilespmem:s30+$0x2A50]  }
0x75: {  	s15 =	sshra.s32 s28, $0x2;
	v7 =	vmul.f32 v8, v1;
	v3 =	vld [tilespmem:s30+$0x2A60];
	[tilespmem:s30+$0x5270] =	vst v2  }
0x76: {  	s28 =	sadd.s32 $0x200, s28;
	v2 =	vld [tilespmem:s15+$0x200];
	[tilespmem:s30+$0x5200] =	vst v9;
	v8 =	vmul.f32 v10, v1  }
0x77: {  	v9 =	vld [tilespmem:s15+$0x2A70];
	[tilespmem:s30+$0x5210] =	vst v7;
	v6 =	vmul.f32 v6, v1  }
0x78: {  	v7 =	vld [tilespmem:s15+$0x2A00];
	[tilespmem:s30+$0x5220] =	vst v8;
	v4 =	vmul.f32 v4, v1  }
0x79: {  	v8 =	vld [tilespmem:s15+$0x2A10];
	[tilespmem:s30+$0x5230] =	vst v6;
	v5 =	vmul.f32 v5, v1  }
0x7a: {  	v6 =	vld [tilespmem:s15+$0x2A20];
	[tilespmem:s30+$0x5240] =	vst v4;
	v1 =	vmul.f32 v3, v1  }
0x7b: {  	v4 =	vld [tilespmem:s15+$0x2A30];
	[tilespmem:s30+$0x5250] =	vst v5  }
0x7c: {  	v3 =	vld [tilespmem:s15+$0x2A40];
	[tilespmem:s30+$0x5260] =	vst v1;
	v1 =	vmul.f32 v9, v2  }
0x7d: {  	v5 =	vld [tilespmem:s15+$0x2A50];
	v7 =	vmul.f32 v7, v2  }
0x7e: {  	v9 =	vld [tilespmem:s15+$0x2A60];
	v8 =	vmul.f32 v8, v2;
	[tilespmem:s15+$0x5270] =	vst v1  }
0x7f: {  	[tilespmem:s15+$0x5200] =	vst v7;
	v1 =	vmul.f32 v6, v2  }
0x80: {  	[tilespmem:s15+$0x5210] =	vst v8;
	v4 =	vmul.f32 v4, v2  }
0x81: {  	[tilespmem:s15+$0x5220] =	vst v1;
	v1 =	vmul.f32 v3, v2  }
0x82: {  	[tilespmem:s15+$0x5230] =	vst v4;
	v3 =	vmul.f32 v5, v2  }
0x83: {  	[tilespmem:s15+$0x5240] =	vst v1;
	v1 =	vmul.f32 v9, v2  }
0x84: {  	[tilespmem:s15+$0x5250] =	vst v3  }
0x85: {  	[tilespmem:s15+$0x5260] =	vst v1;
	s15 =	simm.s32 @p1 $0x3  }
0x86: {  	_ =	swait.ge @p1 [sflag:s15], $0x28  }
0x87: {  	s28 =	simm.s32 @p1 $0x100;
	[sflag:s15] =	ssyncset.done @p1 $0x0  }
0x88: {  	s30 =	simm.s32 @p1 $0x5200;
	[sflag:s15] =	ssyncadd.s32 @p1 $0xFFFFFFD8;
	s15 =	simm.s32 @p1 $0x28  }
0x89: {  	[spmem:s5] =	stream.indirect.scatter.add.f32 @p1 [tilespmem:s30], [sflag:$0x9], $0x80, s28, s15, $0xb8;
	[tilespmem:$0x1B280] =	vst v63  }
0x8a: {  	s28 =	simm.s32 @p1 $0x8;
	s15 =	smul.u32 @!p1 $0x2800, s22  }
0x8b: {  	_ =	swait.ge @p1 [sflag:s28], $0x1400  }
0x8c: {  	[sflag:s28] =	ssyncset.done @p1 $0x0;
	s30 =	sadd.s32 @!p1 s15, s18  }
0x8d: {  	[sflag:s28] =	ssyncadd.s32 @p1 $0xFFFFEC00;
	s28 =	sshrl.u32 @!p1 s30, $0x3  }
0x8e: {  	s26 =	simm.s32 @!p1 $0x200;
	s30 =	simm.s32 @!p1 $0x0;
	s28 =	sadd.s32 @!p1 s7, s28  }
0x8f: {  	[tilespmem:s26], [sflag:$0x5] =	stream.linear.gather @!p1 [hbm4b:s28+s30], $0x1400, $0x38;
	[tilespmem:$0x1B280] =	vst v63  }
0x90: {  	s26 =	simm.s32 @!p1 $0x1  }
0x91: {  	_ =	swait.ge @!p1 [sflag:s26], $0x28  }
0x92: {  	[sflag:s26] =	ssyncset.done @!p1 $0x0  }
0x93: {  	s28 =	simm.s32 @!p1 $0x2A00;
	[sflag:s26] =	ssyncadd.s32 @!p1 $0xFFFFFFD8;
	s26 =	simm.s32 @!p1 $0x28  }
0x94: {  	[tilespmem:s28], [sflag:$0x7] =	stream.indirect.gather @!p1 [hbm4b:s0+s26], $0x80, s30, s26, $0xb8;
	[tilespmem:$0x1B280] =	vst v63  }
0x95: {  	s28 =	simm.s32 @!p1 $0x3  }
0x96: {  	_ =	swait.ge @!p1 [sflag:s28], $0x28  }
0x97: {  	[sflag:s28] =	ssyncset.done @!p1 $0x0  }
0x98: {  	s21 =	simm.s32 @!p1 $0x5200;
	[sflag:s28] =	ssyncadd.s32 @!p1 $0xFFFFFFD8;
	s28 =	simm.s32 @!p1 $0x100  }
0x99: {  	[spmem:s5] =	stream.indirect.scatter.add.f32 @!p1 [tilespmem:s21], [sflag:$0x9], $0x80, s28, s26, $0xb8;
	[tilespmem:$0x1B280] =	vst v63  }
0x9a: {  	s21 =	simm.s32 @!p1 $0x8  }
0x9b: {  	s26 =	sadd.s32 @!p1 s25, s19;
	_ =	swait.ge @!p1 [sflag:s21], $0x1400  }
0x9c: {  	s26 =	sshrl.u32 @!p1 s26, $0x3;
	[sflag:s21] =	ssyncset.done @!p1 $0x0  }
0x9d: {  	[sflag:s21] =	ssyncadd.s32 @!p1 $0xFFFFEC00;
	s21 =	sadd.s32 @!p1 s2, s26;
	s26 =	simm.s32 @!p1 $0x80  }
0x9e: {  	[tilespmem:s26], [sflag:$0x2] =	stream.linear.gather @!p1 [hbm4b:s21+s30], $0x28, $0x38;
	[tilespmem:$0x1B280] =	vst v63  }
0x9f: {  	s21 =	simm.s32 @!p2 $0xA  }
0xa0: {  	s26 =	sadd.s32 s25, s12;
	_ =	swait.ge @!p2 [sflag:s21], $0x1400  }
0xa1: {  	s25 =	sshrl.u32 s26, $0x3;
	[sflag:s21] =	ssyncset.done @!p2 $0x0  }
0xa2: {  	s26 =	simm.s32 $0x0;
	s25 =	sadd.s32 s3, s25;
	[sflag:s21] =	ssyncadd.s32 @!p2 $0xFFFFEC00  }
0xa3: {  	[tilespmem:s11], [sflag:$0x4] =	stream.linear.gather [hbm4b:s25+s26], $0x28, $0x38;
	[tilespmem:$0x1B280] =	vst v63  }
0xa4: {  	_ =	swait.ge [sflag:s13], $0x1400  }
0xa5: {  	[sflag:s13] =	ssyncset.done $0x0  }
0xa6: {  	s30 =	simm.s32 $0x0;
	[sflag:s13] =	ssyncadd.s32 $0xFFFFEC00  }
0xa7: {  	v1 =	vld [tilespmem:s30+$0x1600]  }
0xa8: {  	v2 =	vld [tilespmem:s30+$0x3E70]  }
0xa9: {  	v7 =	vld [tilespmem:s30+$0x3E00]  }
0xaa: {  	v8 =	vld [tilespmem:s30+$0x3E10]  }
0xab: {  	v9 =	vld [tilespmem:s30+$0x3E20]  }
0xac: {  	v6 =	vld [tilespmem:s30+$0x3E30]  }
0xad: {  	v4 =	vld [tilespmem:s30+$0x3E40];
	v2 =	vmul.f32 v2, v1  }
0xae: {  	v5 =	vld [tilespmem:s30+$0x3E50];
	v10 =	vmul.f32 v7, v1  }
0xaf: {  	s25 =	simm.s32 $0x80;
	v3 =	vld [tilespmem:s30+$0x3E60];
	v7 =	vmul.f32 v8, v1;
	[tilespmem:s30+$0x6670] =	vst v2  }
0xb0: {  	s28 =	simm.s32 $0x400;
	v8 =	vmul.f32 v9, v1;
	v2 =	vld [tilespmem:s25+$0x1600];
	[tilespmem:s30+$0x6600] =	vst v10  }
.LBB2_14:
0xb1: {  	p2 =	sne.s32 s28, $0x4E00;
	v9 =	vld [tilespmem:s25+$0x3E70];
	[tilespmem:s30+$0x6610] =	vst v7;
	v6 =	vmul.f32 v6, v1  }
0xb2: {  	v7 =	vld [tilespmem:s25+$0x3E00];
	[tilespmem:s30+$0x6620] =	vst v8;
	v4 =	vmul.f32 v4, v1  }
0xb3: {  	v8 =	vld [tilespmem:s25+$0x3E10];
	[tilespmem:s30+$0x6630] =	vst v6;
	v5 =	vmul.f32 v5, v1  }
0xb4: {  	v10 =	vld [tilespmem:s25+$0x3E20];
	[tilespmem:s30+$0x6640] =	vst v4;
	v3 =	vmul.f32 v3, v1  }
.Ltmp8:
0xb5: {  	v6 =	vld [tilespmem:s25+$0x3E30];
	[tilespmem:s30+$0x6650] =	vst v5;
	v1 =	vmov v2;
	(pc) =	sbr.rel @p2 .LBB2_14-.Ltmp8, $4  }
0xb6: {  	v4 =	vld [tilespmem:s25+$0x3E40];
	v2 =	vmul.f32 v9, v1;
	[tilespmem:s30+$0x6660] =	vst v3;
	s30 =	smov.u32 s25  }
0xb7: {  	v9 =	vmul.f32 v7, v1;
	v5 =	vld [tilespmem:s30+$0x3E50]  }
0xb8: {  	s25 =	sshra.s32 s28, $0x2;
	v7 =	vmul.f32 v8, v1;
	v3 =	vld [tilespmem:s30+$0x3E60];
	[tilespmem:s30+$0x6670] =	vst v2  }
0xb9: {  	s28 =	sadd.s32 $0x200, s28;
	v2 =	vld [tilespmem:s25+$0x1600];
	[tilespmem:s30+$0x6600] =	vst v9;
	v8 =	vmul.f32 v10, v1  }
0xba: {  	v9 =	vld [tilespmem:s25+$0x3E70];
	[tilespmem:s30+$0x6610] =	vst v7;
	v6 =	vmul.f32 v6, v1  }
0xbb: {  	v7 =	vld [tilespmem:s25+$0x3E00];
	[tilespmem:s30+$0x6620] =	vst v8;
	v4 =	vmul.f32 v4, v1  }
0xbc: {  	v8 =	vld [tilespmem:s25+$0x3E10];
	[tilespmem:s30+$0x6630] =	vst v6;
	v5 =	vmul.f32 v5, v1  }
0xbd: {  	v6 =	vld [tilespmem:s25+$0x3E20];
	[tilespmem:s30+$0x6640] =	vst v4;
	v1 =	vmul.f32 v3, v1  }
0xbe: {  	v4 =	vld [tilespmem:s25+$0x3E30];
	[tilespmem:s30+$0x6650] =	vst v5  }
0xbf: {  	v3 =	vld [tilespmem:s25+$0x3E40];
	[tilespmem:s30+$0x6660] =	vst v1;
	v1 =	vmul.f32 v9, v2  }
0xc0: {  	v5 =	vld [tilespmem:s25+$0x3E50];
	v7 =	vmul.f32 v7, v2  }
0xc1: {  	v63 =	vld [tilespmem:s25+$0x3E60];
	v8 =	vmul.f32 v8, v2;
	[tilespmem:s25+$0x6670] =	vst v1  }
0xc2: {  	[tilespmem:s25+$0x6600] =	vst v7;
	v1 =	vmul.f32 v6, v2  }
0xc3: {  	[tilespmem:s25+$0x6610] =	vst v8;
	v4 =	vmul.f32 v4, v2  }
0xc4: {  	[tilespmem:s25+$0x6620] =	vst v1;
	v1 =	vmul.f32 v3, v2  }
0xc5: {  	[tilespmem:s25+$0x6630] =	vst v4;
	v3 =	vmul.f32 v5, v2  }
0xc6: {  	s15 =	sadd.s32 @!p1 s15, s20;
	[tilespmem:s25+$0x6640] =	vst v1;
	v1 =	vmul.f32 v63, v2  }
0xc7: {  	s15 =	sshrl.u32 @!p1 s15, $0x3;
	[tilespmem:s25+$0x6650] =	vst v3  }
0xc8: {  	s21 =	simm.s32 @!p1 $0x0;
	s15 =	sadd.s32 @!p1 s7, s15;
	[tilespmem:s25+$0x6660] =	vst v1;
	s25 =	simm.s32 @!p1 $0x1600  }
0xc9: {  	[tilespmem:s25], [sflag:$0x6] =	stream.linear.gather @!p1 [hbm4b:s15+s21], $0x1400, $0x38;
	[tilespmem:$0x1B280] =	vst v63  }
0xca: {  	s15 =	simm.s32 @!p1 $0x2  }
0xcb: {  	_ =	swait.ge @!p1 [sflag:s15], $0x28  }
0xcc: {  	s22 =	sadd.s32 $0x1, s22;
	s21 =	simm.s32 @!p1 $0x80;
	[sflag:s15] =	ssyncset.done @!p1 $0x0  }
0xcd: {  	s25 =	simm.s32 @!p1 $0x3E00;
	[sflag:s15] =	ssyncadd.s32 @!p1 $0xFFFFFFD8;
	s15 =	simm.s32 @!p1 $0x28  }
0xce: {  	[tilespmem:s25], [sflag:$0x8] =	stream.indirect.gather @!p1 [hbm4b:s0+s15], $0x80, s21, s15, $0xb8;
	[tilespmem:$0x1B280] =	vst v63  }
0xcf: {  	p1 =	sne.s32 s22, $0x7D  }
.Ltmp9:
0xd0: {  	_ = 	snop;
	(pc) =	sbr.rel @p1 .LBB2_8-.Ltmp9, $4  }
0xd1: {  	_ =	swait.ge [sflag:s14], $0x28  }
0xd2: {  	[sflag:s14] =	ssyncset.done $0x0  }
0xd3: {  	[sflag:s14] =	ssyncadd.s32 $0xFFFFFFD8  }
0xd4: {  	[spmem:s5] =	stream.indirect.scatter.add.f32 [tilespmem:s16], [sflag:$0xA], $0x80, s11, s31, $0xb8;
	[tilespmem:$0x1B280] =	vst v63  }
0xd5: {  	_ =	swait.ge [sflag:s24], $0x1400  }
0xd6: {  	[sflag:s24] =	ssyncset.done $0x0  }
0xd7: {  	s15 =	simm.s32 $0xA;
	[sflag:s24] =	ssyncadd.s32 $0xFFFFEC00  }
0xd8: {  	_ =	swait.ge [sflag:s15], $0x1400  }
0xd9: {  	[sflag:s15] =	ssyncset.done $0x0  }
0xda: {  	[sflag:s15] =	ssyncadd.s32 $0xFFFFEC00  }
0xdb: {  	[bflag:$0x0] =	sbarrier.arrive $0xFFFF  }
0xdc: {  	s22 =	rddreg [dreg:$0xb]  }
0xdd: {  	s15 =	simm.s32 @p0 $0x1FCB;
	s21 =	rddreg [dreg:$0xd]  }
0xde: {  	[hbm:s22], [sflag:s15] =	dma.local @p0 [spmem:s21], $0x2800  }
0xdf: {  	s15 =	simm.s32 @p0 $0xB  }
0xe0: {  	s21 =	stileid.u32;
	_ =	swait.ge @p0 [sflag:s15], $0x2800  }
0xe1: {  	s21 =	sshll.u32 @!p0 s21, $0x6;
	[sflag:s15] =	ssyncset.done @p0 $0x0  }
0xe2: {  	[sflag:s15] =	ssyncadd.s32 @p0 $0xFFFFD800;
	s15 =	sor.u32 @!p0 $0x1C0B, s21;
	s21 =	sshrl.u32 @!p0 s10, $0x3  }
0xe3: {  	[hbm:s22], [sflag:s15] =	dma.local @!p0 [spmem:s21], $0x2700  }
0xe4: {  	s15 =	simm.s32 @!p0 $0xB  }
0xe5: {  	_ =	swait.ge @!p0 [sflag:s15], $0x2700  }
0xe6: {  	s6 =	sadd.s32 $0x1, s6;
	s30 =	rddreg [dreg:$0xc]  }
0xe7: {  	p1 =	sne.s32 s6, s30  }
.Ltmp10:
0xe8: {  	_ = 	snop;
	(pc) =	sbr.rel @p1 .LBB2_1-.Ltmp10, $3  }
0xe9: {  	_ =	sdelay $0x1  }
0xea: {  	[sflag:s15] =	ssyncset.done @!p0 $0x0  }
0xeb: {  	[sflag:s15] =	ssyncadd.s32 @!p0 $0xFFFFD900  }
0xec: {  	_ =	sfence.sel $0x180000  }
0xed: {  	[bflag:$0x0] =	sbarrier.arrive $0xFFFF  }
0xee: {  	_ =	strace $0x90000047  }
0xef: {  	s0 =	stileid.u32;
	[bflag:$0x2] =	sbarrier.arrive $0xFFFF  }
0xf0: {  	p0 =	sne.s32 s0, $0x0;
	s0 =	rddreg [dreg:$0x5]  }
0xf1: {  	s0 =	sadd.s32 @!p0 $0x100000, s0  }
0xf2: {  	[sflag:s0] =	ssyncadd.tile.s32 @!p0 $0x1;
	_ =	shalt  }
.Lfunc_end2:
_tile_overlayer_lowered:
.L_overlay_start_2:
0xf3: {  	(tag) =	ssettag $0x2  }
0xf4: {  	s0 =	rddreg [dreg:$0x0];
	s2 =	stileid.u32  }
0xf5: {  	s1 =	rddreg [dreg:$0x1];
	p0 =	sne.s32 s2, $0x0  }
0xf6: {  	s3 =	rddreg [dreg:$0x2];
	[bflag:$0x3] =	sbarrier.arrive $0xFFFF;
	s2 =	simm.s32 @!p0 $0x1C0B  }
0xf7: {  	[timem:s3], [sflag:s2] =	dma.local @!p0 [hbm:s0], s1  }
0xf8: {  	s0 =	simm.s32 @!p0 $0xB  }
0xf9: {  	_ =	swait.ge @!p0 [sflag:s0], s1  }
0xfa: {  	s1 =	ssub.s32 @!p0 $0x0, s1;
	[sflag:s0] =	ssyncset.done @!p0 $0x0  }
0xfb: {  	[sflag:s0] =	ssyncadd.s32 @!p0 s1  }
0xfc: {  	[bflag:$0x3] =	sbarrier.arrive $0xFFFF  }
0xfd: {  	_ =	shalt  }

</sc_bundles>
